<compile_context>
chip_gen: v7x
topology: tpu7x:2x2x1
jax: 0.10.2.dev20260603
libtpu: 0.0.44.dev20260713+nightly
codegen_flags: <defaults>
</compile_context>

<pallas_src>
import functools

import jax
import jax.numpy as jnp
from jax import lax
from jax.experimental import pallas as pl
from jax.experimental.pallas import tpu as pltpu
from jax.experimental.pallas import tpu_sc as plsc

N_NODES = 10000
N_EDGES = 320000
D = 128

NC = 2
NS = 16
NW = NC * NS
EDGES_PER_TILE = N_EDGES // NW
CHUNK = 80
NCHUNKS = EDGES_PER_TILE // CHUNK
N_PAD = 10240
ROWS_PER_TILE = N_PAD // NS
C1 = 128.0
C2 = 4096.0


def _sc_mesh():
  return plsc.VectorSubcoreMesh(
      core_axis_name="c", subcore_axis_name="s", num_cores=NC,
      num_subcores=NS)


@functools.cache
def _make_sc_agg():

  def body(x_hbm, src_hbm, dst_hbm, zero_hbm, out_hbm,
           agg_sh, src_v, dst_v, rows0, rows1, sem0, sem1):
    cid = lax.axis_index("c")
    sid = lax.axis_index("s")
    wid = cid * NS + sid
    stripe = pl.ds(sid * ROWS_PER_TILE, ROWS_PER_TILE)
    pltpu.sync_copy(zero_hbm, agg_sh.at[stripe])
    pltpu.sync_copy(src_hbm.at[wid], src_v)
    pltpu.sync_copy(dst_hbm.at[wid], dst_v)
    plsc.subcore_barrier()

    def gather(j, rows, sem):
      pltpu.async_copy(
          x_hbm.at[src_v.at[pl.ds(j * CHUNK, CHUNK)]], rows, sem)

    def wait(rows, sem):
      pltpu.make_async_copy(x_hbm.at[pl.ds(0, CHUNK)], rows, sem).wait()

    gather(0, rows0, sem0)
    gather(1, rows1, sem1)

    def pair(t, carry):
      j = 2 * t
      wait(rows0, sem0)
      pltpu.sync_copy(rows0, agg_sh.at[dst_v.at[j]], add=True)
      gather(j + 2, rows0, sem0)
      wait(rows1, sem1)
      pltpu.sync_copy(rows1, agg_sh.at[dst_v.at[j + 1]], add=True)

      @pl.when(t < (NCHUNKS - 1) // 2 - 1)
      def _():
        gather(j + 3, rows1, sem1)
      return carry

    lax.fori_loop(0, (NCHUNKS - 1) // 2, pair, 0)
    wait(rows0, sem0)
    pltpu.sync_copy(rows0, agg_sh.at[dst_v.at[NCHUNKS - 1]], add=True)
    plsc.subcore_barrier()
    pltpu.sync_copy(agg_sh.at[stripe], out_hbm.at[cid, stripe])

  return pl.kernel(
      body,
      out_type=jax.ShapeDtypeStruct((NC, N_PAD, D), jnp.float32),
      mesh=_sc_mesh(),
      scratch_types=[
          pltpu.VMEM_SHARED((N_PAD, D), jnp.float32),
          pltpu.VMEM((EDGES_PER_TILE,), jnp.int32),
          pltpu.VMEM((NCHUNKS, CHUNK), jnp.int32),
          pltpu.VMEM((CHUNK, D), jnp.float32),
          pltpu.VMEM((CHUNK, D), jnp.float32),
          pltpu.SemaphoreType.DMA,
          pltpu.SemaphoreType.DMA,
      ],
  )


ROW_BLK = 1000
GRID = N_NODES // ROW_BLK


def _tc1_body(p0, p1, x, wl, wr, b, h, degr):
  e127 = (lax.broadcasted_iota(jnp.int32, (1, D), 1) == (D - 1)).astype(
      jnp.float32)
  p = p0[0] + p1[0]
  c = p[:, D - 1:D]
  deg = jnp.round(c * (1.0 / C1))
  agg = p - (C1 * deg) * e127
  degc = jnp.maximum(deg, 1.0)
  m = lax.dot_general(agg, wl[...], (((1,), (1,)), ((), ())),
                      preferred_element_type=jnp.float32) / degc
  r = lax.dot_general(x[...], wr[...], (((1,), (1,)), ((), ())),
                      preferred_element_type=jnp.float32)
  h[...] = jnp.maximum(m + r + b[...], 0.0) + C2 * e127
  degr[...] = deg


_tc1 = pl.pallas_call(
    _tc1_body,
    grid=(GRID,),
    in_specs=[
        pl.BlockSpec((1, ROW_BLK, D), lambda i: (0, i, 0)),
        pl.BlockSpec((1, ROW_BLK, D), lambda i: (1, i, 0)),
        pl.BlockSpec((ROW_BLK, D), lambda i: (i, 0)),
        pl.BlockSpec((D, D), lambda i: (0, 0)),
        pl.BlockSpec((D, D), lambda i: (0, 0)),
        pl.BlockSpec((1, D), lambda i: (0, 0)),
    ],
    out_specs=[
        pl.BlockSpec((ROW_BLK, D), lambda i: (i, 0)),
        pl.BlockSpec((ROW_BLK, 1), lambda i: (i, 0)),
    ],
    out_shape=[
        jax.ShapeDtypeStruct((N_NODES, D), jnp.float32),
        jax.ShapeDtypeStruct((N_NODES, 1), jnp.float32),
    ],
)


def _tc2_body(q0, q1, ha, degr, wl, wr, b, wf, bf, out):
  e127 = (lax.broadcasted_iota(jnp.int32, (1, D), 1) == (D - 1)).astype(
      jnp.float32)
  deg = degr[...]
  agg = (q0[0] + q1[0]) - (C2 * deg) * e127
  hh = ha[...] - C2 * e127
  degc = jnp.maximum(deg, 1.0)
  m = lax.dot_general(agg, wl[...], (((1,), (1,)), ((), ())),
                      preferred_element_type=jnp.float32) / degc
  r = lax.dot_general(hh, wr[...], (((1,), (1,)), ((), ())),
                      preferred_element_type=jnp.float32)
  h2 = jnp.maximum(m + r + b[...], 0.0)
  out[...] = lax.dot_general(h2, wf[...], (((1,), (1,)), ((), ())),
                             preferred_element_type=jnp.float32) + bf[...]


_tc2 = pl.pallas_call(
    _tc2_body,
    grid=(GRID,),
    in_specs=[
        pl.BlockSpec((1, ROW_BLK, D), lambda i: (0, i, 0)),
        pl.BlockSpec((1, ROW_BLK, D), lambda i: (1, i, 0)),
        pl.BlockSpec((ROW_BLK, D), lambda i: (i, 0)),
        pl.BlockSpec((ROW_BLK, 1), lambda i: (i, 0)),
        pl.BlockSpec((D, D), lambda i: (0, 0)),
        pl.BlockSpec((D, D), lambda i: (0, 0)),
        pl.BlockSpec((1, D), lambda i: (0, 0)),
        pl.BlockSpec((D, D), lambda i: (0, 0)),
        pl.BlockSpec((1, D), lambda i: (0, 0)),
    ],
    out_specs=pl.BlockSpec((ROW_BLK, D), lambda i: (i, 0)),
    out_shape=jax.ShapeDtypeStruct((N_NODES, D), jnp.float32),
)


@jax.jit
def kernel(x, edge_index, Wl1, bl1, Wr1, Wl2, bl2, Wr2, Wf, bf):
  src = edge_index[0].astype(jnp.int32).reshape(NW, EDGES_PER_TILE)
  dst = edge_index[1].astype(jnp.int32).reshape(NW, NCHUNKS, CHUNK)
  zero = jnp.zeros((ROWS_PER_TILE, D), jnp.float32)
  e127 = (jnp.arange(D) == (D - 1)).astype(jnp.float32)

  p = _make_sc_agg()(x + C1 * e127, src, dst, zero)
  ha, degr = _tc1(p, p, x, Wl1, Wr1, bl1.reshape(1, D))
  q = _make_sc_agg()(ha, src, dst, zero)
  out = _tc2(q, q, ha, degr, Wl2, Wr2, bl2.reshape(1, D),
             Wf, bf.reshape(1, D))
  return out

# --- scband reference (transcript-rebuilt; emitter-appended) ---
"""Pipeline reference for scband-graph-sage-2534030704731 (READ-ONLY COPY).

The authoritative reference and input builder live on the scoring server;
editing this copy changes nothing except your own understanding.
"""

import jax, jax.numpy as jnp
import numpy as np

N_NODES = 10000
N_EDGES = 320000
D = 128


def setup_inputs(seed: int = 0) -> dict:
    key = jax.random.key(seed)
    ks = jax.random.split(key, 12)
    x = jax.random.normal(ks[0], (N_NODES, D), dtype=jnp.float32)
    edge_index = jax.random.randint(ks[1], (2, N_EDGES), 0, N_NODES, dtype=jnp.int64)
    s = 1.0 / np.sqrt(D)
    Wl1 = jax.random.uniform(ks[2], (D, D), jnp.float32, -s, s)
    bl1 = jax.random.uniform(ks[3], (D,), jnp.float32, -s, s)
    Wr1 = jax.random.uniform(ks[4], (D, D), jnp.float32, -s, s)
    Wl2 = jax.random.uniform(ks[5], (D, D), jnp.float32, -s, s)
    bl2 = jax.random.uniform(ks[6], (D,), jnp.float32, -s, s)
    Wr2 = jax.random.uniform(ks[7], (D, D), jnp.float32, -s, s)
    Wf = jax.random.uniform(ks[8], (D, D), jnp.float32, -s, s)
    bf = jax.random.uniform(ks[9], (D,), jnp.float32, -s, s)
    return {"x": x, "edge_index": edge_index, "Wl1": Wl1, "bl1": bl1, "Wr1": Wr1,
            "Wl2": Wl2, "bl2": bl2, "Wr2": Wr2, "Wf": Wf, "bf": bf}


def _sage_conv(x, edge_index, Wl, bl, Wr):
    # PyG SAGEConv with mean aggregation:
    # out = lin_l(mean_{j in N(i)} x_j) + lin_r(x_i)
    src = edge_index[0]
    dst = edge_index[1]
    n = x.shape[0]
    msgs = jnp.take(x, src, axis=0)  # gather over source nodes
    agg = jax.ops.segment_sum(msgs, dst, num_segments=n)  # scatter-add by dst
    deg = jax.ops.segment_sum(jnp.ones((edge_index.shape[1],), dtype=x.dtype), dst, num_segments=n)
    mean = agg / jnp.clip(deg, 1.0)[:, None]
    return mean @ Wl.T + bl + x @ Wr.T


def reference(x, edge_index, Wl1, bl1, Wr1, Wl2, bl2, Wr2, Wf, bf):
    # eval mode: dropout with p=0.0 is identity
    h = _sage_conv(x, edge_index, Wl1, bl1, Wr1)
    h = jax.nn.relu(h)
    h = _sage_conv(h, edge_index, Wl2, bl2, Wr2)
    h = jax.nn.relu(h)
    out = h @ Wf.T + bf
    return out

if __name__ == "__main__":
    import jax
    _d = setup_inputs()
    print(jax.jit(kernel)(*tuple(_d.values())))

</pallas_src>

<mosaic_0001>
#map = affine_map<(d0, d1) -> (0, 0)>
#map1 = affine_map<(d0, d1) -> (0, 0, 0)>
module attributes {stable_mosaic.version = 14 : i64} {
  func.func @body(%arg0: i32, %arg1: i32, %arg2: memref<10000x128xf32, #tpu.memory_space<hbm>>, %arg3: memref<32x10000xi32, #tpu.memory_space<hbm>>, %arg4: memref<32x125x80xi32, #tpu.memory_space<hbm>>, %arg5: memref<640x128xf32, #tpu.memory_space<hbm>>, %arg6: memref<2x10240x128xf32, #tpu.memory_space<hbm>>, %arg7: memref<10240x128xf32, #tpu.memory_space<vmem_shared>>, %arg8: memref<10000xi32, #tpu.memory_space<vmem>>, %arg9: memref<125x80xi32, #tpu.memory_space<vmem>>, %arg10: memref<80x128xf32, #tpu.memory_space<vmem>>, %arg11: memref<80x128xf32, #tpu.memory_space<vmem>>, %arg12: memref<!tpu.dma_semaphore, #tpu.memory_space<semaphore_mem>>, %arg13: memref<!tpu.dma_semaphore, #tpu.memory_space<semaphore_mem>>) attributes {dimension_semantics = [#tpu.dimension_semantics<core_parallel>, #tpu.dimension_semantics<subcore_parallel>], iteration_bounds = array<i64: 2, 16>, scalar_prefetch = 0 : i64, scratch_operands = 7 : i64, tpu.core_type = #tpu.core_type<sc_vector_subcore>, window_params = [{transform_indices = #map}, {transform_indices = #map}, {transform_indices = #map1}, {transform_indices = #map}, {transform_indices = #map1}]} {
    %mul3A = arith.constant 16 : i32
    %mul3A_0 = arith.muli %arg0, %mul3A : i32
    %add3A = arith.addi %mul3A_0, %arg1 : i32
    %mul3A_1 = arith.constant 640 : i32
    %mul3A_2 = arith.muli %arg1, %mul3A_1 : i32
    "tpu.region"() ({
      %run_scoped3A_23 = tpu.sem_alloc : memref<!tpu.dma_semaphore, #tpu.memory_space<semaphore_mem>>
      %dma_start3A_24 = arith.constant 0 : i32
      %dma_start3A_25 = tpu.memref_slice %arg7[%mul3A_2, %dma_start3A_24] : memref<10240x128xf32, #tpu.memory_space<vmem_shared>> -> memref<640x128xf32, #tpu.memory_space<vmem_shared>>
      tpu.enqueue_dma source(%arg5 : memref<640x128xf32, #tpu.memory_space<hbm>>) target(%dma_start3A_25 : memref<640x128xf32, #tpu.memory_space<vmem_shared>>) target_semaphore(%run_scoped3A_23 : memref<!tpu.dma_semaphore, #tpu.memory_space<semaphore_mem>>)
      %dma_wait3A_26 = arith.constant 0 : i32
      %dma_wait3A_27 = tpu.memref_slice %arg7[%mul3A_2, %dma_wait3A_26] : memref<10240x128xf32, #tpu.memory_space<vmem_shared>> -> memref<640x128xf32, #tpu.memory_space<vmem_shared>>
      tpu.wait_dma2 semaphore(%run_scoped3A_23 : memref<!tpu.dma_semaphore, #tpu.memory_space<semaphore_mem>>) src(%arg5 : memref<640x128xf32, #tpu.memory_space<hbm>>) dst(%dma_wait3A_27 : memref<640x128xf32, #tpu.memory_space<vmem_shared>>)
      tpu.yield
    }) : () -> ()
    "tpu.region"() ({
      %run_scoped3A_23 = tpu.sem_alloc : memref<!tpu.dma_semaphore, #tpu.memory_space<semaphore_mem>>
      %dma_start3A_24 = arith.constant 0 : i32
      %dma_start3A_25 = tpu.memref_slice %arg3[%add3A, %dma_start3A_24] : memref<32x10000xi32, #tpu.memory_space<hbm>> -> memref<1x10000xi32, #tpu.memory_space<hbm>>
      %dma_start3A_26 = tpu.memref_squeeze %dma_start3A_25 : memref<1x10000xi32, #tpu.memory_space<hbm>> -> memref<10000xi32, #tpu.memory_space<hbm>>
      %dma_start3A_27 = arith.constant 0 : i32
      %dma_start3A_28 = tpu.memref_slice %arg3[%add3A, %dma_start3A_27] : memref<32x10000xi32, #tpu.memory_space<hbm>> -> memref<1x10000xi32, #tpu.memory_space<hbm>>
      %dma_start3A_29 = tpu.memref_squeeze %dma_start3A_28 : memref<1x10000xi32, #tpu.memory_space<hbm>> -> memref<10000xi32, #tpu.memory_space<hbm>>
      tpu.enqueue_dma source(%dma_start3A_29 : memref<10000xi32, #tpu.memory_space<hbm>>) target(%arg8 : memref<10000xi32, #tpu.memory_space<vmem>>) target_semaphore(%run_scoped3A_23 : memref<!tpu.dma_semaphore, #tpu.memory_space<semaphore_mem>>)
      %dma_wait3A_30 = arith.constant 0 : i32
      %dma_wait3A_31 = tpu.memref_slice %arg3[%add3A, %dma_wait3A_30] : memref<32x10000xi32, #tpu.memory_space<hbm>> -> memref<1x10000xi32, #tpu.memory_space<hbm>>
      %dma_wait3A_32 = tpu.memref_squeeze %dma_wait3A_31 : memref<1x10000xi32, #tpu.memory_space<hbm>> -> memref<10000xi32, #tpu.memory_space<hbm>>
      %dma_wait3A_33 = arith.constant 0 : i32
      %dma_wait3A_34 = tpu.memref_slice %arg3[%add3A, %dma_wait3A_33] : memref<32x10000xi32, #tpu.memory_space<hbm>> -> memref<1x10000xi32, #tpu.memory_space<hbm>>
      %dma_wait3A_35 = tpu.memref_squeeze %dma_wait3A_34 : memref<1x10000xi32, #tpu.memory_space<hbm>> -> memref<10000xi32, #tpu.memory_space<hbm>>
      tpu.wait_dma2 semaphore(%run_scoped3A_23 : memref<!tpu.dma_semaphore, #tpu.memory_space<semaphore_mem>>) src(%dma_wait3A_35 : memref<10000xi32, #tpu.memory_space<hbm>>) dst(%arg8 : memref<10000xi32, #tpu.memory_space<vmem>>)
      tpu.yield
    }) : () -> ()
    "tpu.region"() ({
      %run_scoped3A_23 = tpu.sem_alloc : memref<!tpu.dma_semaphore, #tpu.memory_space<semaphore_mem>>
      %dma_start3A_24 = arith.constant 0 : i32
      %dma_start3A_25 = arith.constant 0 : i32
      %dma_start3A_26 = tpu.memref_slice %arg4[%add3A, %dma_start3A_24, %dma_start3A_25] : memref<32x125x80xi32, #tpu.memory_space<hbm>> -> memref<1x125x80xi32, #tpu.memory_space<hbm>>
      %dma_start3A_27 = tpu.memref_squeeze %dma_start3A_26 : memref<1x125x80xi32, #tpu.memory_space<hbm>> -> memref<125x80xi32, #tpu.memory_space<hbm>>
      %dma_start3A_28 = arith.constant 0 : i32
      %dma_start3A_29 = arith.constant 0 : i32
      %dma_start3A_30 = tpu.memref_slice %arg4[%add3A, %dma_start3A_28, %dma_start3A_29] : memref<32x125x80xi32, #tpu.memory_space<hbm>> -> memref<1x125x80xi32, #tpu.memory_space<hbm>>
      %dma_start3A_31 = tpu.memref_squeeze %dma_start3A_30 : memref<1x125x80xi32, #tpu.memory_space<hbm>> -> memref<125x80xi32, #tpu.memory_space<hbm>>
      tpu.enqueue_dma source(%dma_start3A_31 : memref<125x80xi32, #tpu.memory_space<hbm>>) target(%arg9 : memref<125x80xi32, #tpu.memory_space<vmem>>) target_semaphore(%run_scoped3A_23 : memref<!tpu.dma_semaphore, #tpu.memory_space<semaphore_mem>>)
      %dma_wait3A_32 = arith.constant 0 : i32
      %dma_wait3A_33 = arith.constant 0 : i32
      %dma_wait3A_34 = tpu.memref_slice %arg4[%add3A, %dma_wait3A_32, %dma_wait3A_33] : memref<32x125x80xi32, #tpu.memory_space<hbm>> -> memref<1x125x80xi32, #tpu.memory_space<hbm>>
      %dma_wait3A_35 = tpu.memref_squeeze %dma_wait3A_34 : memref<1x125x80xi32, #tpu.memory_space<hbm>> -> memref<125x80xi32, #tpu.memory_space<hbm>>
      %dma_wait3A_36 = arith.constant 0 : i32
      %dma_wait3A_37 = arith.constant 0 : i32
      %dma_wait3A_38 = tpu.memref_slice %arg4[%add3A, %dma_wait3A_36, %dma_wait3A_37] : memref<32x125x80xi32, #tpu.memory_space<hbm>> -> memref<1x125x80xi32, #tpu.memory_space<hbm>>
      %dma_wait3A_39 = tpu.memref_squeeze %dma_wait3A_38 : memref<1x125x80xi32, #tpu.memory_space<hbm>> -> memref<125x80xi32, #tpu.memory_space<hbm>>
      tpu.wait_dma2 semaphore(%run_scoped3A_23 : memref<!tpu.dma_semaphore, #tpu.memory_space<semaphore_mem>>) src(%dma_wait3A_39 : memref<125x80xi32, #tpu.memory_space<hbm>>) dst(%arg9 : memref<125x80xi32, #tpu.memory_space<vmem>>)
      tpu.yield
    }) : () -> ()
    %barrier3A = arith.constant 0 : index
    tpu.barrier barrier_id(%barrier3A)
    %dma_start3A = arith.constant 0 : i32
    %dma_start3A_3 = tpu.memref_slice %arg8[%dma_start3A] : memref<10000xi32, #tpu.memory_space<vmem>> -> memref<80xi32, #tpu.memory_space<vmem>>
    %dma_start3A_4 = arith.constant 0 : i32
    %dma_start3A_5 = arith.constant 0 : i32
    %dma_start3A_6 = tpu.memref_slice %arg2[%dma_start3A_4, %dma_start3A_5] : memref<10000x128xf32, #tpu.memory_space<hbm>> -> memref<10000x128xf32, #tpu.memory_space<hbm>>
    tpu.enqueue_indirect_dma source(%dma_start3A_6 : memref<10000x128xf32, #tpu.memory_space<hbm>>) target(%arg10 : memref<80x128xf32, #tpu.memory_space<vmem>>) offsets(%dma_start3A_3 : memref<80xi32, #tpu.memory_space<vmem>>) semaphore(%arg12 : memref<!tpu.dma_semaphore, #tpu.memory_space<semaphore_mem>>)
    %dma_start3A_7 = arith.constant 80 : i32
    %dma_start3A_8 = tpu.memref_slice %arg8[%dma_start3A_7] : memref<10000xi32, #tpu.memory_space<vmem>> -> memref<80xi32, #tpu.memory_space<vmem>>
    %dma_start3A_9 = arith.constant 0 : i32
    %dma_start3A_10 = arith.constant 0 : i32
    %dma_start3A_11 = tpu.memref_slice %arg2[%dma_start3A_9, %dma_start3A_10] : memref<10000x128xf32, #tpu.memory_space<hbm>> -> memref<10000x128xf32, #tpu.memory_space<hbm>>
    tpu.enqueue_indirect_dma source(%dma_start3A_11 : memref<10000x128xf32, #tpu.memory_space<hbm>>) target(%arg11 : memref<80x128xf32, #tpu.memory_space<vmem>>) offsets(%dma_start3A_8 : memref<80xi32, #tpu.memory_space<vmem>>) semaphore(%arg13 : memref<!tpu.dma_semaphore, #tpu.memory_space<semaphore_mem>>)
    %scan3A = arith.constant 0 : i32
    %scan3A_12 = arith.constant 0 : i32
    %scan3A_13 = arith.constant 62 : i32
    %scan3A_14 = arith.addi %scan3A_12, %scan3A_13 : i32
    %scan3A_15 = arith.constant 1 : i32
    scf.for %scan3A_23 = %scan3A_12 to %scan3A_14 step %scan3A_15  : i32 {
      %mul3A_24 = arith.constant 2 : i32
      %mul3A_25 = arith.muli %mul3A_24, %scan3A_23 : i32
      %dma_wait3A_26 = arith.constant 0 : i32
      %dma_wait3A_27 = arith.constant 0 : i32
      %dma_wait3A_28 = tpu.memref_slice %arg2[%dma_wait3A_26, %dma_wait3A_27] : memref<10000x128xf32, #tpu.memory_space<hbm>> -> memref<80x128xf32, #tpu.memory_space<hbm>>
      %dma_wait3A_29 = arith.constant 0 : i32
      %dma_wait3A_30 = arith.constant 0 : i32
      %dma_wait3A_31 = tpu.memref_slice %arg2[%dma_wait3A_29, %dma_wait3A_30] : memref<10000x128xf32, #tpu.memory_space<hbm>> -> memref<80x128xf32, #tpu.memory_space<hbm>>
      tpu.wait_dma2 semaphore(%arg12 : memref<!tpu.dma_semaphore, #tpu.memory_space<semaphore_mem>>) src(%dma_wait3A_31 : memref<80x128xf32, #tpu.memory_space<hbm>>) dst(%arg10 : memref<80x128xf32, #tpu.memory_space<vmem>>)
      "tpu.region"() ({
        %run_scoped3A_50 = tpu.sem_alloc : memref<!tpu.dma_semaphore, #tpu.memory_space<semaphore_mem>>
        %dma_start3A_51 = arith.constant 0 : i32
        %dma_start3A_52 = tpu.memref_slice %arg9[%mul3A_25, %dma_start3A_51] : memref<125x80xi32, #tpu.memory_space<vmem>> -> memref<1x80xi32, #tpu.memory_space<vmem>>
        %dma_start3A_53 = tpu.memref_squeeze %dma_start3A_52 : memref<1x80xi32, #tpu.memory_space<vmem>> -> memref<80xi32, #tpu.memory_space<vmem>>
        %dma_start3A_54 = arith.constant 0 : i32
        %dma_start3A_55 = arith.constant 0 : i32
        %dma_start3A_56 = tpu.memref_slice %arg7[%dma_start3A_54, %dma_start3A_55] : memref<10240x128xf32, #tpu.memory_space<vmem_shared>> -> memref<10240x128xf32, #tpu.memory_space<vmem_shared>>
        tpu.enqueue_indirect_dma source(%arg10 : memref<80x128xf32, #tpu.memory_space<vmem>>) target(%dma_start3A_56 : memref<10240x128xf32, #tpu.memory_space<vmem_shared>>) offsets(%dma_start3A_53 : memref<80xi32, #tpu.memory_space<vmem>>) semaphore(%run_scoped3A_50 : memref<!tpu.dma_semaphore, #tpu.memory_space<semaphore_mem>>) {add = true}
        %dma_wait3A_57 = arith.constant 0 : i32
        %dma_wait3A_58 = tpu.memref_slice %arg9[%mul3A_25, %dma_wait3A_57] : memref<125x80xi32, #tpu.memory_space<vmem>> -> memref<1x80xi32, #tpu.memory_space<vmem>>
        %dma_wait3A_59 = tpu.memref_squeeze %dma_wait3A_58 : memref<1x80xi32, #tpu.memory_space<vmem>> -> memref<80xi32, #tpu.memory_space<vmem>>
        %dma_wait3A_60 = arith.constant 0 : i32
        %dma_wait3A_61 = arith.constant 0 : i32
        %dma_wait3A_62 = tpu.memref_slice %arg7[%dma_wait3A_60, %dma_wait3A_61] : memref<10240x128xf32, #tpu.memory_space<vmem_shared>> -> memref<10240x128xf32, #tpu.memory_space<vmem_shared>>
        tpu.wait_indirect_dma semaphore(%run_scoped3A_50 : memref<!tpu.dma_semaphore, #tpu.memory_space<semaphore_mem>>) src(%arg10 : memref<80x128xf32, #tpu.memory_space<vmem>>) dst(%dma_wait3A_62 : memref<10240x128xf32, #tpu.memory_space<vmem_shared>>)
        tpu.yield
      }) : () -> ()
      %add3A_32 = arith.constant 2 : i32
      %add3A_33 = arith.addi %mul3A_25, %add3A_32 : i32
      %mul3A_34 = arith.constant 80 : i32
      %mul3A_35 = arith.muli %add3A_33, %mul3A_34 : i32
      %dma_start3A_36 = tpu.memref_slice %arg8[%mul3A_35] : memref<10000xi32, #tpu.memory_space<vmem>> -> memref<80xi32, #tpu.memory_space<vmem>>
      %dma_start3A_37 = arith.constant 0 : i32
      %dma_start3A_38 = arith.constant 0 : i32
      %dma_start3A_39 = tpu.memref_slice %arg2[%dma_start3A_37, %dma_start3A_38] : memref<10000x128xf32, #tpu.memory_space<hbm>> -> memref<10000x128xf32, #tpu.memory_space<hbm>>
      tpu.enqueue_indirect_dma source(%dma_start3A_39 : memref<10000x128xf32, #tpu.memory_space<hbm>>) target(%arg10 : memref<80x128xf32, #tpu.memory_space<vmem>>) offsets(%dma_start3A_36 : memref<80xi32, #tpu.memory_space<vmem>>) semaphore(%arg12 : memref<!tpu.dma_semaphore, #tpu.memory_space<semaphore_mem>>)
      %dma_wait3A_40 = arith.constant 0 : i32
      %dma_wait3A_41 = arith.constant 0 : i32
      %dma_wait3A_42 = tpu.memref_slice %arg2[%dma_wait3A_40, %dma_wait3A_41] : memref<10000x128xf32, #tpu.memory_space<hbm>> -> memref<80x128xf32, #tpu.memory_space<hbm>>
      %dma_wait3A_43 = arith.constant 0 : i32
      %dma_wait3A_44 = arith.constant 0 : i32
      %dma_wait3A_45 = tpu.memref_slice %arg2[%dma_wait3A_43, %dma_wait3A_44] : memref<10000x128xf32, #tpu.memory_space<hbm>> -> memref<80x128xf32, #tpu.memory_space<hbm>>
      tpu.wait_dma2 semaphore(%arg13 : memref<!tpu.dma_semaphore, #tpu.memory_space<semaphore_mem>>) src(%dma_wait3A_45 : memref<80x128xf32, #tpu.memory_space<hbm>>) dst(%arg11 : memref<80x128xf32, #tpu.memory_space<vmem>>)
      %add3A_46 = arith.constant 1 : i32
      %add3A_47 = arith.addi %mul3A_25, %add3A_46 : i32
      "tpu.region"() ({
        %run_scoped3A_50 = tpu.sem_alloc : memref<!tpu.dma_semaphore, #tpu.memory_space<semaphore_mem>>
        %dma_start3A_51 = arith.constant 0 : i32
        %dma_start3A_52 = tpu.memref_slice %arg9[%add3A_47, %dma_start3A_51] : memref<125x80xi32, #tpu.memory_space<vmem>> -> memref<1x80xi32, #tpu.memory_space<vmem>>
        %dma_start3A_53 = tpu.memref_squeeze %dma_start3A_52 : memref<1x80xi32, #tpu.memory_space<vmem>> -> memref<80xi32, #tpu.memory_space<vmem>>
        %dma_start3A_54 = arith.constant 0 : i32
        %dma_start3A_55 = arith.constant 0 : i32
        %dma_start3A_56 = tpu.memref_slice %arg7[%dma_start3A_54, %dma_start3A_55] : memref<10240x128xf32, #tpu.memory_space<vmem_shared>> -> memref<10240x128xf32, #tpu.memory_space<vmem_shared>>
        tpu.enqueue_indirect_dma source(%arg11 : memref<80x128xf32, #tpu.memory_space<vmem>>) target(%dma_start3A_56 : memref<10240x128xf32, #tpu.memory_space<vmem_shared>>) offsets(%dma_start3A_53 : memref<80xi32, #tpu.memory_space<vmem>>) semaphore(%run_scoped3A_50 : memref<!tpu.dma_semaphore, #tpu.memory_space<semaphore_mem>>) {add = true}
        %dma_wait3A_57 = arith.constant 0 : i32
        %dma_wait3A_58 = tpu.memref_slice %arg9[%add3A_47, %dma_wait3A_57] : memref<125x80xi32, #tpu.memory_space<vmem>> -> memref<1x80xi32, #tpu.memory_space<vmem>>
        %dma_wait3A_59 = tpu.memref_squeeze %dma_wait3A_58 : memref<1x80xi32, #tpu.memory_space<vmem>> -> memref<80xi32, #tpu.memory_space<vmem>>
        %dma_wait3A_60 = arith.constant 0 : i32
        %dma_wait3A_61 = arith.constant 0 : i32
        %dma_wait3A_62 = tpu.memref_slice %arg7[%dma_wait3A_60, %dma_wait3A_61] : memref<10240x128xf32, #tpu.memory_space<vmem_shared>> -> memref<10240x128xf32, #tpu.memory_space<vmem_shared>>
        tpu.wait_indirect_dma semaphore(%run_scoped3A_50 : memref<!tpu.dma_semaphore, #tpu.memory_space<semaphore_mem>>) src(%arg11 : memref<80x128xf32, #tpu.memory_space<vmem>>) dst(%dma_wait3A_62 : memref<10240x128xf32, #tpu.memory_space<vmem_shared>>)
        tpu.yield
      }) : () -> ()
      %lt3A = arith.constant 61 : i32
      %lt3A_48 = arith.cmpi slt, %scan3A_23, %lt3A : i32
      %convert_element_type3A = arith.extui %lt3A_48 : i1 to i32
      %cond3A = arith.constant 0 : i32
      %cond3A_49 = arith.cmpi ne, %convert_element_type3A, %cond3A : i32
      scf.if %cond3A_49 {
        %add3A_50 = arith.constant 3 : i32
        %add3A_51 = arith.addi %mul3A_25, %add3A_50 : i32
        %mul3A_52 = arith.constant 80 : i32
        %mul3A_53 = arith.muli %add3A_51, %mul3A_52 : i32
        %dma_start3A_54 = tpu.memref_slice %arg8[%mul3A_53] : memref<10000xi32, #tpu.memory_space<vmem>> -> memref<80xi32, #tpu.memory_space<vmem>>
        %dma_start3A_55 = arith.constant 0 : i32
        %dma_start3A_56 = arith.constant 0 : i32
        %dma_start3A_57 = tpu.memref_slice %arg2[%dma_start3A_55, %dma_start3A_56] : memref<10000x128xf32, #tpu.memory_space<hbm>> -> memref<10000x128xf32, #tpu.memory_space<hbm>>
        tpu.enqueue_indirect_dma source(%dma_start3A_57 : memref<10000x128xf32, #tpu.memory_space<hbm>>) target(%arg11 : memref<80x128xf32, #tpu.memory_space<vmem>>) offsets(%dma_start3A_54 : memref<80xi32, #tpu.memory_space<vmem>>) semaphore(%arg13 : memref<!tpu.dma_semaphore, #tpu.memory_space<semaphore_mem>>)
      } else {
      }
    }
    %scan3A_16 = arith.constant 62 : i32
    %dma_wait3A = arith.constant 0 : i32
    %dma_wait3A_17 = arith.constant 0 : i32
    %dma_wait3A_18 = tpu.memref_slice %arg2[%dma_wait3A, %dma_wait3A_17] : memref<10000x128xf32, #tpu.memory_space<hbm>> -> memref<80x128xf32, #tpu.memory_space<hbm>>
    %dma_wait3A_19 = arith.constant 0 : i32
    %dma_wait3A_20 = arith.constant 0 : i32
    %dma_wait3A_21 = tpu.memref_slice %arg2[%dma_wait3A_19, %dma_wait3A_20] : memref<10000x128xf32, #tpu.memory_space<hbm>> -> memref<80x128xf32, #tpu.memory_space<hbm>>
    tpu.wait_dma2 semaphore(%arg12 : memref<!tpu.dma_semaphore, #tpu.memory_space<semaphore_mem>>) src(%dma_wait3A_21 : memref<80x128xf32, #tpu.memory_space<hbm>>) dst(%arg10 : memref<80x128xf32, #tpu.memory_space<vmem>>)
    %run_scoped3A = arith.constant 124 : i32
    "tpu.region"() ({
      %run_scoped3A_23 = tpu.sem_alloc : memref<!tpu.dma_semaphore, #tpu.memory_space<semaphore_mem>>
      %dma_start3A_24 = arith.constant 0 : i32
      %dma_start3A_25 = tpu.memref_slice %arg9[%run_scoped3A, %dma_start3A_24] : memref<125x80xi32, #tpu.memory_space<vmem>> -> memref<1x80xi32, #tpu.memory_space<vmem>>
      %dma_start3A_26 = tpu.memref_squeeze %dma_start3A_25 : memref<1x80xi32, #tpu.memory_space<vmem>> -> memref<80xi32, #tpu.memory_space<vmem>>
      %dma_start3A_27 = arith.constant 0 : i32
      %dma_start3A_28 = arith.constant 0 : i32
      %dma_start3A_29 = tpu.memref_slice %arg7[%dma_start3A_27, %dma_start3A_28] : memref<10240x128xf32, #tpu.memory_space<vmem_shared>> -> memref<10240x128xf32, #tpu.memory_space<vmem_shared>>
      tpu.enqueue_indirect_dma source(%arg10 : memref<80x128xf32, #tpu.memory_space<vmem>>) target(%dma_start3A_29 : memref<10240x128xf32, #tpu.memory_space<vmem_shared>>) offsets(%dma_start3A_26 : memref<80xi32, #tpu.memory_space<vmem>>) semaphore(%run_scoped3A_23 : memref<!tpu.dma_semaphore, #tpu.memory_space<semaphore_mem>>) {add = true}
      %dma_wait3A_30 = arith.constant 0 : i32
      %dma_wait3A_31 = tpu.memref_slice %arg9[%run_scoped3A, %dma_wait3A_30] : memref<125x80xi32, #tpu.memory_space<vmem>> -> memref<1x80xi32, #tpu.memory_space<vmem>>
      %dma_wait3A_32 = tpu.memref_squeeze %dma_wait3A_31 : memref<1x80xi32, #tpu.memory_space<vmem>> -> memref<80xi32, #tpu.memory_space<vmem>>
      %dma_wait3A_33 = arith.constant 0 : i32
      %dma_wait3A_34 = arith.constant 0 : i32
      %dma_wait3A_35 = tpu.memref_slice %arg7[%dma_wait3A_33, %dma_wait3A_34] : memref<10240x128xf32, #tpu.memory_space<vmem_shared>> -> memref<10240x128xf32, #tpu.memory_space<vmem_shared>>
      tpu.wait_indirect_dma semaphore(%run_scoped3A_23 : memref<!tpu.dma_semaphore, #tpu.memory_space<semaphore_mem>>) src(%arg10 : memref<80x128xf32, #tpu.memory_space<vmem>>) dst(%dma_wait3A_35 : memref<10240x128xf32, #tpu.memory_space<vmem_shared>>)
      tpu.yield
    }) : () -> ()
    %barrier3A_22 = arith.constant 0 : index
    tpu.barrier barrier_id(%barrier3A_22)
    "tpu.region"() ({
      %run_scoped3A_23 = tpu.sem_alloc : memref<!tpu.dma_semaphore, #tpu.memory_space<semaphore_mem>>
      %dma_start3A_24 = arith.constant 0 : i32
      %dma_start3A_25 = tpu.memref_slice %arg6[%arg0, %mul3A_2, %dma_start3A_24] : memref<2x10240x128xf32, #tpu.memory_space<hbm>> -> memref<1x640x128xf32, #tpu.memory_space<hbm>>
      %dma_start3A_26 = tpu.memref_squeeze %dma_start3A_25 : memref<1x640x128xf32, #tpu.memory_space<hbm>> -> memref<640x128xf32, #tpu.memory_space<hbm>>
      %dma_start3A_27 = arith.constant 0 : i32
      %dma_start3A_28 = tpu.memref_slice %arg7[%mul3A_2, %dma_start3A_27] : memref<10240x128xf32, #tpu.memory_space<vmem_shared>> -> memref<640x128xf32, #tpu.memory_space<vmem_shared>>
      tpu.enqueue_dma source(%dma_start3A_28 : memref<640x128xf32, #tpu.memory_space<vmem_shared>>) target(%dma_start3A_26 : memref<640x128xf32, #tpu.memory_space<hbm>>) target_semaphore(%run_scoped3A_23 : memref<!tpu.dma_semaphore, #tpu.memory_space<semaphore_mem>>)
      %dma_wait3A_29 = arith.constant 0 : i32
      %dma_wait3A_30 = tpu.memref_slice %arg6[%arg0, %mul3A_2, %dma_wait3A_29] : memref<2x10240x128xf32, #tpu.memory_space<hbm>> -> memref<1x640x128xf32, #tpu.memory_space<hbm>>
      %dma_wait3A_31 = tpu.memref_squeeze %dma_wait3A_30 : memref<1x640x128xf32, #tpu.memory_space<hbm>> -> memref<640x128xf32, #tpu.memory_space<hbm>>
      %dma_wait3A_32 = arith.constant 0 : i32
      %dma_wait3A_33 = tpu.memref_slice %arg7[%mul3A_2, %dma_wait3A_32] : memref<10240x128xf32, #tpu.memory_space<vmem_shared>> -> memref<640x128xf32, #tpu.memory_space<vmem_shared>>
      tpu.wait_dma2 semaphore(%run_scoped3A_23 : memref<!tpu.dma_semaphore, #tpu.memory_space<semaphore_mem>>) src(%dma_wait3A_33 : memref<640x128xf32, #tpu.memory_space<vmem_shared>>) dst(%dma_wait3A_31 : memref<640x128xf32, #tpu.memory_space<hbm>>)
      tpu.yield
    }) : () -> ()
    return
  }
}

#map = affine_map<(d0, d1) -> (0, 0)>
#map1 = affine_map<(d0, d1) -> (0, 0, 0)>
module attributes {stable_mosaic.version = 14 : i64} {
  func.func @body(%arg0: i32, %arg1: i32, %arg2: memref<10000x128xf32, #tpu.memory_space<hbm>>, %arg3: memref<32x10000xi32, #tpu.memory_space<hbm>>, %arg4: memref<32x125x80xi32, #tpu.memory_space<hbm>>, %arg5: memref<640x128xf32, #tpu.memory_space<hbm>>, %arg6: memref<2x10240x128xf32, #tpu.memory_space<hbm>>, %arg7: memref<10240x128xf32, #tpu.memory_space<vmem_shared>>, %arg8: memref<10000xi32, #tpu.memory_space<vmem>>, %arg9: memref<125x80xi32, #tpu.memory_space<vmem>>, %arg10: memref<80x128xf32, #tpu.memory_space<vmem>>, %arg11: memref<80x128xf32, #tpu.memory_space<vmem>>, %arg12: memref<!tpu.dma_semaphore, #tpu.memory_space<semaphore_mem>>, %arg13: memref<!tpu.dma_semaphore, #tpu.memory_space<semaphore_mem>>) attributes {dimension_semantics = [#tpu.dimension_semantics<core_parallel>, #tpu.dimension_semantics<subcore_parallel>], iteration_bounds = array<i64: 2, 16>, scalar_prefetch = 0 : i64, scratch_operands = 7 : i64, tpu.core_type = #tpu.core_type<sc_vector_subcore>, window_params = [{transform_indices = #map}, {transform_indices = #map}, {transform_indices = #map1}, {transform_indices = #map}, {transform_indices = #map1}]} {
    %mul3A = arith.constant 16 : i32
    %mul3A_0 = arith.muli %arg0, %mul3A : i32
    %add3A = arith.addi %mul3A_0, %arg1 : i32
    %mul3A_1 = arith.constant 640 : i32
    %mul3A_2 = arith.muli %arg1, %mul3A_1 : i32
    "tpu.region"() ({
      %run_scoped3A_23 = tpu.sem_alloc : memref<!tpu.dma_semaphore, #tpu.memory_space<semaphore_mem>>
      %dma_start3A_24 = arith.constant 0 : i32
      %dma_start3A_25 = tpu.memref_slice %arg7[%mul3A_2, %dma_start3A_24] : memref<10240x128xf32, #tpu.memory_space<vmem_shared>> -> memref<640x128xf32, #tpu.memory_space<vmem_shared>>
      tpu.enqueue_dma source(%arg5 : memref<640x128xf32, #tpu.memory_space<hbm>>) target(%dma_start3A_25 : memref<640x128xf32, #tpu.memory_space<vmem_shared>>) target_semaphore(%run_scoped3A_23 : memref<!tpu.dma_semaphore, #tpu.memory_space<semaphore_mem>>)
      %dma_wait3A_26 = arith.constant 0 : i32
      %dma_wait3A_27 = tpu.memref_slice %arg7[%mul3A_2, %dma_wait3A_26] : memref<10240x128xf32, #tpu.memory_space<vmem_shared>> -> memref<640x128xf32, #tpu.memory_space<vmem_shared>>
      tpu.wait_dma2 semaphore(%run_scoped3A_23 : memref<!tpu.dma_semaphore, #tpu.memory_space<semaphore_mem>>) src(%arg5 : memref<640x128xf32, #tpu.memory_space<hbm>>) dst(%dma_wait3A_27 : memref<640x128xf32, #tpu.memory_space<vmem_shared>>)
      tpu.yield
    }) : () -> ()
    "tpu.region"() ({
      %run_scoped3A_23 = tpu.sem_alloc : memref<!tpu.dma_semaphore, #tpu.memory_space<semaphore_mem>>
      %dma_start3A_24 = arith.constant 0 : i32
      %dma_start3A_25 = tpu.memref_slice %arg3[%add3A, %dma_start3A_24] : memref<32x10000xi32, #tpu.memory_space<hbm>> -> memref<1x10000xi32, #tpu.memory_space<hbm>>
      %dma_start3A_26 = tpu.memref_squeeze %dma_start3A_25 : memref<1x10000xi32, #tpu.memory_space<hbm>> -> memref<10000xi32, #tpu.memory_space<hbm>>
      %dma_start3A_27 = arith.constant 0 : i32
      %dma_start3A_28 = tpu.memref_slice %arg3[%add3A, %dma_start3A_27] : memref<32x10000xi32, #tpu.memory_space<hbm>> -> memref<1x10000xi32, #tpu.memory_space<hbm>>
      %dma_start3A_29 = tpu.memref_squeeze %dma_start3A_28 : memref<1x10000xi32, #tpu.memory_space<hbm>> -> memref<10000xi32, #tpu.memory_space<hbm>>
      tpu.enqueue_dma source(%dma_start3A_29 : memref<10000xi32, #tpu.memory_space<hbm>>) target(%arg8 : memref<10000xi32, #tpu.memory_space<vmem>>) target_semaphore(%run_scoped3A_23 : memref<!tpu.dma_semaphore, #tpu.memory_space<semaphore_mem>>)
      %dma_wait3A_30 = arith.constant 0 : i32
      %dma_wait3A_31 = tpu.memref_slice %arg3[%add3A, %dma_wait3A_30] : memref<32x10000xi32, #tpu.memory_space<hbm>> -> memref<1x10000xi32, #tpu.memory_space<hbm>>
      %dma_wait3A_32 = tpu.memref_squeeze %dma_wait3A_31 : memref<1x10000xi32, #tpu.memory_space<hbm>> -> memref<10000xi32, #tpu.memory_space<hbm>>
      %dma_wait3A_33 = arith.constant 0 : i32
      %dma_wait3A_34 = tpu.memref_slice %arg3[%add3A, %dma_wait3A_33] : memref<32x10000xi32, #tpu.memory_space<hbm>> -> memref<1x10000xi32, #tpu.memory_space<hbm>>
      %dma_wait3A_35 = tpu.memref_squeeze %dma_wait3A_34 : memref<1x10000xi32, #tpu.memory_space<hbm>> -> memref<10000xi32, #tpu.memory_space<hbm>>
      tpu.wait_dma2 semaphore(%run_scoped3A_23 : memref<!tpu.dma_semaphore, #tpu.memory_space<semaphore_mem>>) src(%dma_wait3A_35 : memref<10000xi32, #tpu.memory_space<hbm>>) dst(%arg8 : memref<10000xi32, #tpu.memory_space<vmem>>)
      tpu.yield
    }) : () -> ()
    "tpu.region"() ({
      %run_scoped3A_23 = tpu.sem_alloc : memref<!tpu.dma_semaphore, #tpu.memory_space<semaphore_mem>>
      %dma_start3A_24 = arith.constant 0 : i32
      %dma_start3A_25 = arith.constant 0 : i32
      %dma_start3A_26 = tpu.memref_slice %arg4[%add3A, %dma_start3A_24, %dma_start3A_25] : memref<32x125x80xi32, #tpu.memory_space<hbm>> -> memref<1x125x80xi32, #tpu.memory_space<hbm>>
      %dma_start3A_27 = tpu.memref_squeeze %dma_start3A_26 : memref<1x125x80xi32, #tpu.memory_space<hbm>> -> memref<125x80xi32, #tpu.memory_space<hbm>>
      %dma_start3A_28 = arith.constant 0 : i32
      %dma_start3A_29 = arith.constant 0 : i32
      %dma_start3A_30 = tpu.memref_slice %arg4[%add3A, %dma_start3A_28, %dma_start3A_29] : memref<32x125x80xi32, #tpu.memory_space<hbm>> -> memref<1x125x80xi32, #tpu.memory_space<hbm>>
      %dma_start3A_31 = tpu.memref_squeeze %dma_start3A_30 : memref<1x125x80xi32, #tpu.memory_space<hbm>> -> memref<125x80xi32, #tpu.memory_space<hbm>>
      tpu.enqueue_dma source(%dma_start3A_31 : memref<125x80xi32, #tpu.memory_space<hbm>>) target(%arg9 : memref<125x80xi32, #tpu.memory_space<vmem>>) target_semaphore(%run_scoped3A_23 : memref<!tpu.dma_semaphore, #tpu.memory_space<semaphore_mem>>)
      %dma_wait3A_32 = arith.constant 0 : i32
      %dma_wait3A_33 = arith.constant 0 : i32
      %dma_wait3A_34 = tpu.memref_slice %arg4[%add3A, %dma_wait3A_32, %dma_wait3A_33] : memref<32x125x80xi32, #tpu.memory_space<hbm>> -> memref<1x125x80xi32, #tpu.memory_space<hbm>>
      %dma_wait3A_35 = tpu.memref_squeeze %dma_wait3A_34 : memref<1x125x80xi32, #tpu.memory_space<hbm>> -> memref<125x80xi32, #tpu.memory_space<hbm>>
      %dma_wait3A_36 = arith.constant 0 : i32
      %dma_wait3A_37 = arith.constant 0 : i32
      %dma_wait3A_38 = tpu.memref_slice %arg4[%add3A, %dma_wait3A_36, %dma_wait3A_37] : memref<32x125x80xi32, #tpu.memory_space<hbm>> -> memref<1x125x80xi32, #tpu.memory_space<hbm>>
      %dma_wait3A_39 = tpu.memref_squeeze %dma_wait3A_38 : memref<1x125x80xi32, #tpu.memory_space<hbm>> -> memref<125x80xi32, #tpu.memory_space<hbm>>
      tpu.wait_dma2 semaphore(%run_scoped3A_23 : memref<!tpu.dma_semaphore, #tpu.memory_space<semaphore_mem>>) src(%dma_wait3A_39 : memref<125x80xi32, #tpu.memory_space<hbm>>) dst(%arg9 : memref<125x80xi32, #tpu.memory_space<vmem>>)
      tpu.yield
    }) : () -> ()
    %barrier3A = arith.constant 0 : index
    tpu.barrier barrier_id(%barrier3A)
    %dma_start3A = arith.constant 0 : i32
    %dma_start3A_3 = tpu.memref_slice %arg8[%dma_start3A] : memref<10000xi32, #tpu.memory_space<vmem>> -> memref<80xi32, #tpu.memory_space<vmem>>
    %dma_start3A_4 = arith.constant 0 : i32
    %dma_start3A_5 = arith.constant 0 : i32
    %dma_start3A_6 = tpu.memref_slice %arg2[%dma_start3A_4, %dma_start3A_5] : memref<10000x128xf32, #tpu.memory_space<hbm>> -> memref<10000x128xf32, #tpu.memory_space<hbm>>
    tpu.enqueue_indirect_dma source(%dma_start3A_6 : memref<10000x128xf32, #tpu.memory_space<hbm>>) target(%arg10 : memref<80x128xf32, #tpu.memory_space<vmem>>) offsets(%dma_start3A_3 : memref<80xi32, #tpu.memory_space<vmem>>) semaphore(%arg12 : memref<!tpu.dma_semaphore, #tpu.memory_space<semaphore_mem>>)
    %dma_start3A_7 = arith.constant 80 : i32
    %dma_start3A_8 = tpu.memref_slice %arg8[%dma_start3A_7] : memref<10000xi32, #tpu.memory_space<vmem>> -> memref<80xi32, #tpu.memory_space<vmem>>
    %dma_start3A_9 = arith.constant 0 : i32
    %dma_start3A_10 = arith.constant 0 : i32
    %dma_start3A_11 = tpu.memref_slice %arg2[%dma_start3A_9, %dma_start3A_10] : memref<10000x128xf32, #tpu.memory_space<hbm>> -> memref<10000x128xf32, #tpu.memory_space<hbm>>
    tpu.enqueue_indirect_dma source(%dma_start3A_11 : memref<10000x128xf32, #tpu.memory_space<hbm>>) target(%arg11 : memref<80x128xf32, #tpu.memory_space<vmem>>) offsets(%dma_start3A_8 : memref<80xi32, #tpu.memory_space<vmem>>) semaphore(%arg13 : memref<!tpu.dma_semaphore, #tpu.memory_space<semaphore_mem>>)
    %scan3A = arith.constant 0 : i32
    %scan3A_12 = arith.constant 0 : i32
    %scan3A_13 = arith.constant 62 : i32
    %scan3A_14 = arith.addi %scan3A_12, %scan3A_13 : i32
    %scan3A_15 = arith.constant 1 : i32
    scf.for %scan3A_23 = %scan3A_12 to %scan3A_14 step %scan3A_15  : i32 {
      %mul3A_24 = arith.constant 2 : i32
      %mul3A_25 = arith.muli %mul3A_24, %scan3A_23 : i32
      %dma_wait3A_26 = arith.constant 0 : i32
      %dma_wait3A_27 = arith.constant 0 : i32
      %dma_wait3A_28 = tpu.memref_slice %arg2[%dma_wait3A_26, %dma_wait3A_27] : memref<10000x128xf32, #tpu.memory_space<hbm>> -> memref<80x128xf32, #tpu.memory_space<hbm>>
      %dma_wait3A_29 = arith.constant 0 : i32
      %dma_wait3A_30 = arith.constant 0 : i32
      %dma_wait3A_31 = tpu.memref_slice %arg2[%dma_wait3A_29, %dma_wait3A_30] : memref<10000x128xf32, #tpu.memory_space<hbm>> -> memref<80x128xf32, #tpu.memory_space<hbm>>
      tpu.wait_dma2 semaphore(%arg12 : memref<!tpu.dma_semaphore, #tpu.memory_space<semaphore_mem>>) src(%dma_wait3A_31 : memref<80x128xf32, #tpu.memory_space<hbm>>) dst(%arg10 : memref<80x128xf32, #tpu.memory_space<vmem>>)
      "tpu.region"() ({
        %run_scoped3A_50 = tpu.sem_alloc : memref<!tpu.dma_semaphore, #tpu.memory_space<semaphore_mem>>
        %dma_start3A_51 = arith.constant 0 : i32
        %dma_start3A_52 = tpu.memref_slice %arg9[%mul3A_25, %dma_start3A_51] : memref<125x80xi32, #tpu.memory_space<vmem>> -> memref<1x80xi32, #tpu.memory_space<vmem>>
        %dma_start3A_53 = tpu.memref_squeeze %dma_start3A_52 : memref<1x80xi32, #tpu.memory_space<vmem>> -> memref<80xi32, #tpu.memory_space<vmem>>
        %dma_start3A_54 = arith.constant 0 : i32
        %dma_start3A_55 = arith.constant 0 : i32
        %dma_start3A_56 = tpu.memref_slice %arg7[%dma_start3A_54, %dma_start3A_55] : memref<10240x128xf32, #tpu.memory_space<vmem_shared>> -> memref<10240x128xf32, #tpu.memory_space<vmem_shared>>
        tpu.enqueue_indirect_dma source(%arg10 : memref<80x128xf32, #tpu.memory_space<vmem>>) target(%dma_start3A_56 : memref<10240x128xf32, #tpu.memory_space<vmem_shared>>) offsets(%dma_start3A_53 : memref<80xi32, #tpu.memory_space<vmem>>) semaphore(%run_scoped3A_50 : memref<!tpu.dma_semaphore, #tpu.memory_space<semaphore_mem>>) {add = true}
        %dma_wait3A_57 = arith.constant 0 : i32
        %dma_wait3A_58 = tpu.memref_slice %arg9[%mul3A_25, %dma_wait3A_57] : memref<125x80xi32, #tpu.memory_space<vmem>> -> memref<1x80xi32, #tpu.memory_space<vmem>>
        %dma_wait3A_59 = tpu.memref_squeeze %dma_wait3A_58 : memref<1x80xi32, #tpu.memory_space<vmem>> -> memref<80xi32, #tpu.memory_space<vmem>>
        %dma_wait3A_60 = arith.constant 0 : i32
        %dma_wait3A_61 = arith.constant 0 : i32
        %dma_wait3A_62 = tpu.memref_slice %arg7[%dma_wait3A_60, %dma_wait3A_61] : memref<10240x128xf32, #tpu.memory_space<vmem_shared>> -> memref<10240x128xf32, #tpu.memory_space<vmem_shared>>
        tpu.wait_indirect_dma semaphore(%run_scoped3A_50 : memref<!tpu.dma_semaphore, #tpu.memory_space<semaphore_mem>>) src(%arg10 : memref<80x128xf32, #tpu.memory_space<vmem>>) dst(%dma_wait3A_62 : memref<10240x128xf32, #tpu.memory_space<vmem_shared>>)
        tpu.yield
      }) : () -> ()
      %add3A_32 = arith.constant 2 : i32
      %add3A_33 = arith.addi %mul3A_25, %add3A_32 : i32
      %mul3A_34 = arith.constant 80 : i32
      %mul3A_35 = arith.muli %add3A_33, %mul3A_34 : i32
      %dma_start3A_36 = tpu.memref_slice %arg8[%mul3A_35] : memref<10000xi32, #tpu.memory_space<vmem>> -> memref<80xi32, #tpu.memory_space<vmem>>
      %dma_start3A_37 = arith.constant 0 : i32
      %dma_start3A_38 = arith.constant 0 : i32
      %dma_start3A_39 = tpu.memref_slice %arg2[%dma_start3A_37, %dma_start3A_38] : memref<10000x128xf32, #tpu.memory_space<hbm>> -> memref<10000x128xf32, #tpu.memory_space<hbm>>
      tpu.enqueue_indirect_dma source(%dma_start3A_39 : memref<10000x128xf32, #tpu.memory_space<hbm>>) target(%arg10 : memref<80x128xf32, #tpu.memory_space<vmem>>) offsets(%dma_start3A_36 : memref<80xi32, #tpu.memory_space<vmem>>) semaphore(%arg12 : memref<!tpu.dma_semaphore, #tpu.memory_space<semaphore_mem>>)
      %dma_wait3A_40 = arith.constant 0 : i32
      %dma_wait3A_41 = arith.constant 0 : i32
      %dma_wait3A_42 = tpu.memref_slice %arg2[%dma_wait3A_40, %dma_wait3A_41] : memref<10000x128xf32, #tpu.memory_space<hbm>> -> memref<80x128xf32, #tpu.memory_space<hbm>>
      %dma_wait3A_43 = arith.constant 0 : i32
      %dma_wait3A_44 = arith.constant 0 : i32
      %dma_wait3A_45 = tpu.memref_slice %arg2[%dma_wait3A_43, %dma_wait3A_44] : memref<10000x128xf32, #tpu.memory_space<hbm>> -> memref<80x128xf32, #tpu.memory_space<hbm>>
      tpu.wait_dma2 semaphore(%arg13 : memref<!tpu.dma_semaphore, #tpu.memory_space<semaphore_mem>>) src(%dma_wait3A_45 : memref<80x128xf32, #tpu.memory_space<hbm>>) dst(%arg11 : memref<80x128xf32, #tpu.memory_space<vmem>>)
      %add3A_46 = arith.constant 1 : i32
      %add3A_47 = arith.addi %mul3A_25, %add3A_46 : i32
      "tpu.region"() ({
        %run_scoped3A_50 = tpu.sem_alloc : memref<!tpu.dma_semaphore, #tpu.memory_space<semaphore_mem>>
        %dma_start3A_51 = arith.constant 0 : i32
        %dma_start3A_52 = tpu.memref_slice %arg9[%add3A_47, %dma_start3A_51] : memref<125x80xi32, #tpu.memory_space<vmem>> -> memref<1x80xi32, #tpu.memory_space<vmem>>
        %dma_start3A_53 = tpu.memref_squeeze %dma_start3A_52 : memref<1x80xi32, #tpu.memory_space<vmem>> -> memref<80xi32, #tpu.memory_space<vmem>>
        %dma_start3A_54 = arith.constant 0 : i32
        %dma_start3A_55 = arith.constant 0 : i32
        %dma_start3A_56 = tpu.memref_slice %arg7[%dma_start3A_54, %dma_start3A_55] : memref<10240x128xf32, #tpu.memory_space<vmem_shared>> -> memref<10240x128xf32, #tpu.memory_space<vmem_shared>>
        tpu.enqueue_indirect_dma source(%arg11 : memref<80x128xf32, #tpu.memory_space<vmem>>) target(%dma_start3A_56 : memref<10240x128xf32, #tpu.memory_space<vmem_shared>>) offsets(%dma_start3A_53 : memref<80xi32, #tpu.memory_space<vmem>>) semaphore(%run_scoped3A_50 : memref<!tpu.dma_semaphore, #tpu.memory_space<semaphore_mem>>) {add = true}
        %dma_wait3A_57 = arith.constant 0 : i32
        %dma_wait3A_58 = tpu.memref_slice %arg9[%add3A_47, %dma_wait3A_57] : memref<125x80xi32, #tpu.memory_space<vmem>> -> memref<1x80xi32, #tpu.memory_space<vmem>>
        %dma_wait3A_59 = tpu.memref_squeeze %dma_wait3A_58 : memref<1x80xi32, #tpu.memory_space<vmem>> -> memref<80xi32, #tpu.memory_space<vmem>>
        %dma_wait3A_60 = arith.constant 0 : i32
        %dma_wait3A_61 = arith.constant 0 : i32
        %dma_wait3A_62 = tpu.memref_slice %arg7[%dma_wait3A_60, %dma_wait3A_61] : memref<10240x128xf32, #tpu.memory_space<vmem_shared>> -> memref<10240x128xf32, #tpu.memory_space<vmem_shared>>
        tpu.wait_indirect_dma semaphore(%run_scoped3A_50 : memref<!tpu.dma_semaphore, #tpu.memory_space<semaphore_mem>>) src(%arg11 : memref<80x128xf32, #tpu.memory_space<vmem>>) dst(%dma_wait3A_62 : memref<10240x128xf32, #tpu.memory_space<vmem_shared>>)
        tpu.yield
      }) : () -> ()
      %lt3A = arith.constant 61 : i32
      %lt3A_48 = arith.cmpi slt, %scan3A_23, %lt3A : i32
      %convert_element_type3A = arith.extui %lt3A_48 : i1 to i32
      %cond3A = arith.constant 0 : i32
      %cond3A_49 = arith.cmpi ne, %convert_element_type3A, %cond3A : i32
      scf.if %cond3A_49 {
        %add3A_50 = arith.constant 3 : i32
        %add3A_51 = arith.addi %mul3A_25, %add3A_50 : i32
        %mul3A_52 = arith.constant 80 : i32
        %mul3A_53 = arith.muli %add3A_51, %mul3A_52 : i32
        %dma_start3A_54 = tpu.memref_slice %arg8[%mul3A_53] : memref<10000xi32, #tpu.memory_space<vmem>> -> memref<80xi32, #tpu.memory_space<vmem>>
        %dma_start3A_55 = arith.constant 0 : i32
        %dma_start3A_56 = arith.constant 0 : i32
        %dma_start3A_57 = tpu.memref_slice %arg2[%dma_start3A_55, %dma_start3A_56] : memref<10000x128xf32, #tpu.memory_space<hbm>> -> memref<10000x128xf32, #tpu.memory_space<hbm>>
        tpu.enqueue_indirect_dma source(%dma_start3A_57 : memref<10000x128xf32, #tpu.memory_space<hbm>>) target(%arg11 : memref<80x128xf32, #tpu.memory_space<vmem>>) offsets(%dma_start3A_54 : memref<80xi32, #tpu.memory_space<vmem>>) semaphore(%arg13 : memref<!tpu.dma_semaphore, #tpu.memory_space<semaphore_mem>>)
      } else {
      }
    }
    %scan3A_16 = arith.constant 62 : i32
    %dma_wait3A = arith.constant 0 : i32
    %dma_wait3A_17 = arith.constant 0 : i32
    %dma_wait3A_18 = tpu.memref_slice %arg2[%dma_wait3A, %dma_wait3A_17] : memref<10000x128xf32, #tpu.memory_space<hbm>> -> memref<80x128xf32, #tpu.memory_space<hbm>>
    %dma_wait3A_19 = arith.constant 0 : i32
    %dma_wait3A_20 = arith.constant 0 : i32
    %dma_wait3A_21 = tpu.memref_slice %arg2[%dma_wait3A_19, %dma_wait3A_20] : memref<10000x128xf32, #tpu.memory_space<hbm>> -> memref<80x128xf32, #tpu.memory_space<hbm>>
    tpu.wait_dma2 semaphore(%arg12 : memref<!tpu.dma_semaphore, #tpu.memory_space<semaphore_mem>>) src(%dma_wait3A_21 : memref<80x128xf32, #tpu.memory_space<hbm>>) dst(%arg10 : memref<80x128xf32, #tpu.memory_space<vmem>>)
    %run_scoped3A = arith.constant 124 : i32
    "tpu.region"() ({
      %run_scoped3A_23 = tpu.sem_alloc : memref<!tpu.dma_semaphore, #tpu.memory_space<semaphore_mem>>
      %dma_start3A_24 = arith.constant 0 : i32
      %dma_start3A_25 = tpu.memref_slice %arg9[%run_scoped3A, %dma_start3A_24] : memref<125x80xi32, #tpu.memory_space<vmem>> -> memref<1x80xi32, #tpu.memory_space<vmem>>
      %dma_start3A_26 = tpu.memref_squeeze %dma_start3A_25 : memref<1x80xi32, #tpu.memory_space<vmem>> -> memref<80xi32, #tpu.memory_space<vmem>>
      %dma_start3A_27 = arith.constant 0 : i32
      %dma_start3A_28 = arith.constant 0 : i32
      %dma_start3A_29 = tpu.memref_slice %arg7[%dma_start3A_27, %dma_start3A_28] : memref<10240x128xf32, #tpu.memory_space<vmem_shared>> -> memref<10240x128xf32, #tpu.memory_space<vmem_shared>>
      tpu.enqueue_indirect_dma source(%arg10 : memref<80x128xf32, #tpu.memory_space<vmem>>) target(%dma_start3A_29 : memref<10240x128xf32, #tpu.memory_space<vmem_shared>>) offsets(%dma_start3A_26 : memref<80xi32, #tpu.memory_space<vmem>>) semaphore(%run_scoped3A_23 : memref<!tpu.dma_semaphore, #tpu.memory_space<semaphore_mem>>) {add = true}
      %dma_wait3A_30 = arith.constant 0 : i32
      %dma_wait3A_31 = tpu.memref_slice %arg9[%run_scoped3A, %dma_wait3A_30] : memref<125x80xi32, #tpu.memory_space<vmem>> -> memref<1x80xi32, #tpu.memory_space<vmem>>
      %dma_wait3A_32 = tpu.memref_squeeze %dma_wait3A_31 : memref<1x80xi32, #tpu.memory_space<vmem>> -> memref<80xi32, #tpu.memory_space<vmem>>
      %dma_wait3A_33 = arith.constant 0 : i32
      %dma_wait3A_34 = arith.constant 0 : i32
      %dma_wait3A_35 = tpu.memref_slice %arg7[%dma_wait3A_33, %dma_wait3A_34] : memref<10240x128xf32, #tpu.memory_space<vmem_shared>> -> memref<10240x128xf32, #tpu.memory_space<vmem_shared>>
      tpu.wait_indirect_dma semaphore(%run_scoped3A_23 : memref<!tpu.dma_semaphore, #tpu.memory_space<semaphore_mem>>) src(%arg10 : memref<80x128xf32, #tpu.memory_space<vmem>>) dst(%dma_wait3A_35 : memref<10240x128xf32, #tpu.memory_space<vmem_shared>>)
      tpu.yield
    }) : () -> ()
    %barrier3A_22 = arith.constant 0 : index
    tpu.barrier barrier_id(%barrier3A_22)
    "tpu.region"() ({
      %run_scoped3A_23 = tpu.sem_alloc : memref<!tpu.dma_semaphore, #tpu.memory_space<semaphore_mem>>
      %dma_start3A_24 = arith.constant 0 : i32
      %dma_start3A_25 = tpu.memref_slice %arg6[%arg0, %mul3A_2, %dma_start3A_24] : memref<2x10240x128xf32, #tpu.memory_space<hbm>> -> memref<1x640x128xf32, #tpu.memory_space<hbm>>
      %dma_start3A_26 = tpu.memref_squeeze %dma_start3A_25 : memref<1x640x128xf32, #tpu.memory_space<hbm>> -> memref<640x128xf32, #tpu.memory_space<hbm>>
      %dma_start3A_27 = arith.constant 0 : i32
      %dma_start3A_28 = tpu.memref_slice %arg7[%mul3A_2, %dma_start3A_27] : memref<10240x128xf32, #tpu.memory_space<vmem_shared>> -> memref<640x128xf32, #tpu.memory_space<vmem_shared>>
      tpu.enqueue_dma source(%dma_start3A_28 : memref<640x128xf32, #tpu.memory_space<vmem_shared>>) target(%dma_start3A_26 : memref<640x128xf32, #tpu.memory_space<hbm>>) target_semaphore(%run_scoped3A_23 : memref<!tpu.dma_semaphore, #tpu.memory_space<semaphore_mem>>)
      %dma_wait3A_29 = arith.constant 0 : i32
      %dma_wait3A_30 = tpu.memref_slice %arg6[%arg0, %mul3A_2, %dma_wait3A_29] : memref<2x10240x128xf32, #tpu.memory_space<hbm>> -> memref<1x640x128xf32, #tpu.memory_space<hbm>>
      %dma_wait3A_31 = tpu.memref_squeeze %dma_wait3A_30 : memref<1x640x128xf32, #tpu.memory_space<hbm>> -> memref<640x128xf32, #tpu.memory_space<hbm>>
      %dma_wait3A_32 = arith.constant 0 : i32
      %dma_wait3A_33 = tpu.memref_slice %arg7[%mul3A_2, %dma_wait3A_32] : memref<10240x128xf32, #tpu.memory_space<vmem_shared>> -> memref<640x128xf32, #tpu.memory_space<vmem_shared>>
      tpu.wait_dma2 semaphore(%run_scoped3A_23 : memref<!tpu.dma_semaphore, #tpu.memory_space<semaphore_mem>>) src(%dma_wait3A_33 : memref<640x128xf32, #tpu.memory_space<vmem_shared>>) dst(%dma_wait3A_31 : memref<640x128xf32, #tpu.memory_space<hbm>>)
      tpu.yield
    }) : () -> ()
    return
  }
}

module attributes {stable_mosaic.version = 14 : i64} {
  func.func @_tc1_body(%arg0: i32, %arg1: memref<1x1000x128xf32, #tpu.memory_space<vmem>>, %arg2: memref<1x1000x128xf32, #tpu.memory_space<vmem>>, %arg3: memref<1000x128xf32, #tpu.memory_space<vmem>>, %arg4: memref<128x128xf32, #tpu.memory_space<vmem>>, %arg5: memref<128x128xf32, #tpu.memory_space<vmem>>, %arg6: memref<1x128xf32, #tpu.memory_space<vmem>>, %arg7: memref<1000x128xf32, #tpu.memory_space<vmem>>, %arg8: memref<1000x1xf32, #tpu.memory_space<vmem>>) attributes {dimension_semantics = [#tpu.dimension_semantics<arbitrary>], iteration_bounds = array<i64: 10>, scalar_prefetch = 0 : i64, scratch_operands = 0 : i64, tpu.core_type = #tpu.core_type<tc>, window_params = [{transform_indices = @transform_0, window_bounds = array<i64: 1, 1000, 128>}, {transform_indices = @transform_1, window_bounds = array<i64: 1, 1000, 128>}, {transform_indices = @transform_2, window_bounds = array<i64: 1000, 128>}, {pipeline_mode = #tpu.pipeline_mode<synchronous>, transform_indices = @transform_3, window_bounds = array<i64: 128, 128>}, {pipeline_mode = #tpu.pipeline_mode<synchronous>, transform_indices = @transform_4, window_bounds = array<i64: 128, 128>}, {pipeline_mode = #tpu.pipeline_mode<synchronous>, transform_indices = @transform_5, window_bounds = array<i64: 1, 128>}, {transform_indices = @transform_6, window_bounds = array<i64: 1000, 128>}, {transform_indices = @transform_7, window_bounds = array<i64: 1000, 1>}]} {
    %iota3A = tpu.iota {dimensions = array<i32: 1>} : vector<1x128xi32>
    %eq3A = arith.constant 127 : i32
    %eq3A_0 = vector.broadcast %eq3A : i32 to vector<1x128xi32>
    %eq3A_1 = arith.cmpi eq, %iota3A, %eq3A_0 : vector<1x128xi32>
    %convert_element_type3A = arith.extui %eq3A_1 : vector<1x128xi1> to vector<1x128xi32>
    %convert_element_type3A_2 = arith.sitofp %convert_element_type3A : vector<1x128xi32> to vector<1x128xf32>
    %get3A = arith.constant 0 : index
    %get3A_3 = arith.constant 0 : index
    %get3A_4 = arith.constant 0 : index
    %get3A_5 = vector.load %arg1[%get3A, %get3A_3, %get3A_4] : memref<1x1000x128xf32, #tpu.memory_space<vmem>>, vector<1x1000x128xf32>
    %get3A_6 = vector.shape_cast %get3A_5 : vector<1x1000x128xf32> to vector<1000x128xf32>
    %get3A_7 = arith.constant 0 : index
    %get3A_8 = arith.constant 0 : index
    %get3A_9 = arith.constant 0 : index
    %get3A_10 = vector.load %arg2[%get3A_7, %get3A_8, %get3A_9] : memref<1x1000x128xf32, #tpu.memory_space<vmem>>, vector<1x1000x128xf32>
    %get3A_11 = vector.shape_cast %get3A_10 : vector<1x1000x128xf32> to vector<1000x128xf32>
    %add3A = arith.addf %get3A_6, %get3A_11 : vector<1000x128xf32>
    %slice3A = vector.extract_strided_slice %add3A {offsets = [0, 127], sizes = [1000, 1], strides = [1, 1]} : vector<1000x128xf32> to vector<1000x1xf32>
    %mul3A = arith.constant 7.812500e-03 : f32
    %mul3A_12 = vector.broadcast %mul3A : f32 to vector<1000x1xf32>
    %mul3A_13 = arith.mulf %slice3A, %mul3A_12 : vector<1000x1xf32>
    %round3A = math.roundeven %mul3A_13 : vector<1000x1xf32>
    %mul3A_14 = arith.constant 1.280000e+02 : f32
    %mul3A_15 = vector.broadcast %mul3A_14 : f32 to vector<1000x1xf32>
    %mul3A_16 = arith.mulf %mul3A_15, %round3A : vector<1000x1xf32>
    %mul3A_17 = vector.broadcast %mul3A_16 : vector<1000x1xf32> to vector<1000x128xf32>
    %mul3A_18 = vector.broadcast %convert_element_type3A_2 : vector<1x128xf32> to vector<1000x128xf32>
    %mul3A_19 = arith.mulf %mul3A_17, %mul3A_18 : vector<1000x128xf32>
    %sub3A = arith.subf %add3A, %mul3A_19 : vector<1000x128xf32>
    %max3A = arith.constant 1.000000e+00 : f32
    %max3A_20 = vector.broadcast %max3A : f32 to vector<1000x1xf32>
    %max3A_21 = arith.maximumf %round3A, %max3A_20 : vector<1000x1xf32>
    %get3A_22 = arith.constant 0 : index
    %get3A_23 = arith.constant 0 : index
    %get3A_24 = vector.load %arg4[%get3A_22, %get3A_23] : memref<128x128xf32, #tpu.memory_space<vmem>>, vector<128x128xf32>
    %dot_general3A = arith.constant dense<0.000000e+00> : vector<1000x128xf32>
    %dot_general3A_25 = tpu.matmul %sub3A, %get3A_24, %dot_general3A {dimension_numbers = #tpu.dot_dimension_numbers<[1], [1], [0], [0], [0, 0, 1, 0], [], []>, transpose_lhs_hint = false} : vector<1000x128xf32>, vector<128x128xf32>, vector<1000x128xf32> -> vector<1000x128xf32>
    %div3A = vector.broadcast %max3A_21 : vector<1000x1xf32> to vector<1000x128xf32>
    %div3A_26 = arith.divf %dot_general3A_25, %div3A : vector<1000x128xf32>
    %get3A_27 = arith.constant 0 : index
    %get3A_28 = arith.constant 0 : index
    %get3A_29 = vector.load %arg3[%get3A_27, %get3A_28] : memref<1000x128xf32, #tpu.memory_space<vmem>>, vector<1000x128xf32>
    %get3A_30 = arith.constant 0 : index
    %get3A_31 = arith.constant 0 : index
    %get3A_32 = vector.load %arg5[%get3A_30, %get3A_31] : memref<128x128xf32, #tpu.memory_space<vmem>>, vector<128x128xf32>
    %dot_general3A_33 = arith.constant dense<0.000000e+00> : vector<1000x128xf32>
    %dot_general3A_34 = tpu.matmul %get3A_29, %get3A_32, %dot_general3A_33 {dimension_numbers = #tpu.dot_dimension_numbers<[1], [1], [0], [0], [0, 0, 1, 0], [], []>, transpose_lhs_hint = false} : vector<1000x128xf32>, vector<128x128xf32>, vector<1000x128xf32> -> vector<1000x128xf32>
    %add3A_35 = arith.addf %div3A_26, %dot_general3A_34 : vector<1000x128xf32>
    %get3A_36 = arith.constant 0 : index
    %get3A_37 = arith.constant 0 : index
    %get3A_38 = vector.load %arg6[%get3A_36, %get3A_37] : memref<1x128xf32, #tpu.memory_space<vmem>>, vector<1x128xf32>
    %add3A_39 = vector.broadcast %get3A_38 : vector<1x128xf32> to vector<1000x128xf32>
    %add3A_40 = arith.addf %add3A_35, %add3A_39 : vector<1000x128xf32>
    %max3A_41 = arith.constant 0.000000e+00 : f32
    %max3A_42 = vector.broadcast %max3A_41 : f32 to vector<1000x128xf32>
    %max3A_43 = arith.maximumf %add3A_40, %max3A_42 : vector<1000x128xf32>
    %mul3A_44 = arith.constant 4.096000e+03 : f32
    %mul3A_45 = vector.broadcast %mul3A_44 : f32 to vector<1x128xf32>
    %mul3A_46 = arith.mulf %mul3A_45, %convert_element_type3A_2 : vector<1x128xf32>
    %add3A_47 = vector.broadcast %mul3A_46 : vector<1x128xf32> to vector<1000x128xf32>
    %add3A_48 = arith.addf %max3A_43, %add3A_47 : vector<1000x128xf32>
    %swap3A = arith.constant 0 : index
    %swap3A_49 = arith.constant 0 : index
    %swap3A_50 = vector.load %arg7[%swap3A, %swap3A_49] : memref<1000x128xf32, #tpu.memory_space<vmem>>, vector<1000x128xf32>
    tpu.vector_store %arg7[%swap3A, %swap3A_49], %add3A_48 {strides = array<i32>} : memref<1000x128xf32, #tpu.memory_space<vmem>>, vector<1000x128xf32>,
    %swap3A_51 = arith.constant 0 : index
    %swap3A_52 = arith.constant 0 : index
    %swap3A_53 = vector.load %arg8[%swap3A_51, %swap3A_52] : memref<1000x1xf32, #tpu.memory_space<vmem>>, vector<1000x1xf32>
    tpu.vector_store %arg8[%swap3A_51, %swap3A_52], %round3A {strides = array<i32>} : memref<1000x1xf32, #tpu.memory_space<vmem>>, vector<1000x1xf32>,
    return
  }
  func.func @transform_0(%arg0: i32) -> (i32, i32, i32) {
    %c0_i32 = arith.constant 0 : i32
    %c0_i32_0 = arith.constant 0 : i32
    %c0_i32_1 = arith.constant 0 : i32
    return %c0_i32, %arg0, %c0_i32_0 : i32, i32, i32
  }
  func.func @transform_1(%arg0: i32) -> (i32, i32, i32) {
    %c1_i32 = arith.constant 1 : i32
    %c0_i32 = arith.constant 0 : i32
    %c0_i32_0 = arith.constant 0 : i32
    return %c1_i32, %arg0, %c0_i32 : i32, i32, i32
  }
  func.func @transform_2(%arg0: i32) -> (i32, i32) {
    %c0_i32 = arith.constant 0 : i32
    %c0_i32_0 = arith.constant 0 : i32
    return %arg0, %c0_i32 : i32, i32
  }
  func.func @transform_3(%arg0: i32) -> (i32, i32) {
    %c0_i32 = arith.constant 0 : i32
    %c0_i32_0 = arith.constant 0 : i32
    %c0_i32_1 = arith.constant 0 : i32
    return %c0_i32, %c0_i32_0 : i32, i32
  }
  func.func @transform_4(%arg0: i32) -> (i32, i32) {
    %c0_i32 = arith.constant 0 : i32
    %c0_i32_0 = arith.constant 0 : i32
    %c0_i32_1 = arith.constant 0 : i32
    return %c0_i32, %c0_i32_0 : i32, i32
  }
  func.func @transform_5(%arg0: i32) -> (i32, i32) {
    %c0_i32 = arith.constant 0 : i32
    %c0_i32_0 = arith.constant 0 : i32
    %c0_i32_1 = arith.constant 0 : i32
    return %c0_i32, %c0_i32_0 : i32, i32
  }
  func.func @transform_6(%arg0: i32) -> (i32, i32) {
    %c0_i32 = arith.constant 0 : i32
    %c0_i32_0 = arith.constant 0 : i32
    return %arg0, %c0_i32 : i32, i32
  }
  func.func @transform_7(%arg0: i32) -> (i32, i32) {
    %c0_i32 = arith.constant 0 : i32
    %c0_i32_0 = arith.constant 0 : i32
    return %arg0, %c0_i32 : i32, i32
  }
}

module attributes {stable_mosaic.version = 14 : i64} {
  func.func @_tc2_body(%arg0: i32, %arg1: memref<1x1000x128xf32, #tpu.memory_space<vmem>>, %arg2: memref<1x1000x128xf32, #tpu.memory_space<vmem>>, %arg3: memref<1000x128xf32, #tpu.memory_space<vmem>>, %arg4: memref<1000x1xf32, #tpu.memory_space<vmem>>, %arg5: memref<128x128xf32, #tpu.memory_space<vmem>>, %arg6: memref<128x128xf32, #tpu.memory_space<vmem>>, %arg7: memref<1x128xf32, #tpu.memory_space<vmem>>, %arg8: memref<128x128xf32, #tpu.memory_space<vmem>>, %arg9: memref<1x128xf32, #tpu.memory_space<vmem>>, %arg10: memref<1000x128xf32, #tpu.memory_space<vmem>>) attributes {dimension_semantics = [#tpu.dimension_semantics<arbitrary>], iteration_bounds = array<i64: 10>, scalar_prefetch = 0 : i64, scratch_operands = 0 : i64, tpu.core_type = #tpu.core_type<tc>, window_params = [{transform_indices = @transform_0, window_bounds = array<i64: 1, 1000, 128>}, {transform_indices = @transform_1, window_bounds = array<i64: 1, 1000, 128>}, {transform_indices = @transform_2, window_bounds = array<i64: 1000, 128>}, {transform_indices = @transform_3, window_bounds = array<i64: 1000, 1>}, {pipeline_mode = #tpu.pipeline_mode<synchronous>, transform_indices = @transform_4, window_bounds = array<i64: 128, 128>}, {pipeline_mode = #tpu.pipeline_mode<synchronous>, transform_indices = @transform_5, window_bounds = array<i64: 128, 128>}, {pipeline_mode = #tpu.pipeline_mode<synchronous>, transform_indices = @transform_6, window_bounds = array<i64: 1, 128>}, {pipeline_mode = #tpu.pipeline_mode<synchronous>, transform_indices = @transform_7, window_bounds = array<i64: 128, 128>}, {pipeline_mode = #tpu.pipeline_mode<synchronous>, transform_indices = @transform_8, window_bounds = array<i64: 1, 128>}, {transform_indices = @transform_9, window_bounds = array<i64: 1000, 128>}]} {
    %iota3A = tpu.iota {dimensions = array<i32: 1>} : vector<1x128xi32>
    %eq3A = arith.constant 127 : i32
    %eq3A_0 = vector.broadcast %eq3A : i32 to vector<1x128xi32>
    %eq3A_1 = arith.cmpi eq, %iota3A, %eq3A_0 : vector<1x128xi32>
    %convert_element_type3A = arith.extui %eq3A_1 : vector<1x128xi1> to vector<1x128xi32>
    %convert_element_type3A_2 = arith.sitofp %convert_element_type3A : vector<1x128xi32> to vector<1x128xf32>
    %get3A = arith.constant 0 : index
    %get3A_3 = arith.constant 0 : index
    %get3A_4 = vector.load %arg4[%get3A, %get3A_3] : memref<1000x1xf32, #tpu.memory_space<vmem>>, vector<1000x1xf32>
    %get3A_5 = arith.constant 0 : index
    %get3A_6 = arith.constant 0 : index
    %get3A_7 = arith.constant 0 : index
    %get3A_8 = vector.load %arg1[%get3A_5, %get3A_6, %get3A_7] : memref<1x1000x128xf32, #tpu.memory_space<vmem>>, vector<1x1000x128xf32>
    %get3A_9 = vector.shape_cast %get3A_8 : vector<1x1000x128xf32> to vector<1000x128xf32>
    %get3A_10 = arith.constant 0 : index
    %get3A_11 = arith.constant 0 : index
    %get3A_12 = arith.constant 0 : index
    %get3A_13 = vector.load %arg2[%get3A_10, %get3A_11, %get3A_12] : memref<1x1000x128xf32, #tpu.memory_space<vmem>>, vector<1x1000x128xf32>
    %get3A_14 = vector.shape_cast %get3A_13 : vector<1x1000x128xf32> to vector<1000x128xf32>
    %add3A = arith.addf %get3A_9, %get3A_14 : vector<1000x128xf32>
    %mul3A = arith.constant 4.096000e+03 : f32
    %mul3A_15 = vector.broadcast %mul3A : f32 to vector<1000x1xf32>
    %mul3A_16 = arith.mulf %mul3A_15, %get3A_4 : vector<1000x1xf32>
    %mul3A_17 = vector.broadcast %mul3A_16 : vector<1000x1xf32> to vector<1000x128xf32>
    %mul3A_18 = vector.broadcast %convert_element_type3A_2 : vector<1x128xf32> to vector<1000x128xf32>
    %mul3A_19 = arith.mulf %mul3A_17, %mul3A_18 : vector<1000x128xf32>
    %sub3A = arith.subf %add3A, %mul3A_19 : vector<1000x128xf32>
    %get3A_20 = arith.constant 0 : index
    %get3A_21 = arith.constant 0 : index
    %get3A_22 = vector.load %arg3[%get3A_20, %get3A_21] : memref<1000x128xf32, #tpu.memory_space<vmem>>, vector<1000x128xf32>
    %mul3A_23 = arith.constant 4.096000e+03 : f32
    %mul3A_24 = vector.broadcast %mul3A_23 : f32 to vector<1x128xf32>
    %mul3A_25 = arith.mulf %mul3A_24, %convert_element_type3A_2 : vector<1x128xf32>
    %sub3A_26 = vector.broadcast %mul3A_25 : vector<1x128xf32> to vector<1000x128xf32>
    %sub3A_27 = arith.subf %get3A_22, %sub3A_26 : vector<1000x128xf32>
    %max3A = arith.constant 1.000000e+00 : f32
    %max3A_28 = vector.broadcast %max3A : f32 to vector<1000x1xf32>
    %max3A_29 = arith.maximumf %get3A_4, %max3A_28 : vector<1000x1xf32>
    %get3A_30 = arith.constant 0 : index
    %get3A_31 = arith.constant 0 : index
    %get3A_32 = vector.load %arg5[%get3A_30, %get3A_31] : memref<128x128xf32, #tpu.memory_space<vmem>>, vector<128x128xf32>
    %dot_general3A = arith.constant dense<0.000000e+00> : vector<1000x128xf32>
    %dot_general3A_33 = tpu.matmul %sub3A, %get3A_32, %dot_general3A {dimension_numbers = #tpu.dot_dimension_numbers<[1], [1], [0], [0], [0, 0, 1, 0], [], []>, transpose_lhs_hint = false} : vector<1000x128xf32>, vector<128x128xf32>, vector<1000x128xf32> -> vector<1000x128xf32>
    %div3A = vector.broadcast %max3A_29 : vector<1000x1xf32> to vector<1000x128xf32>
    %div3A_34 = arith.divf %dot_general3A_33, %div3A : vector<1000x128xf32>
    %get3A_35 = arith.constant 0 : index
    %get3A_36 = arith.constant 0 : index
    %get3A_37 = vector.load %arg6[%get3A_35, %get3A_36] : memref<128x128xf32, #tpu.memory_space<vmem>>, vector<128x128xf32>
    %dot_general3A_38 = arith.constant dense<0.000000e+00> : vector<1000x128xf32>
    %dot_general3A_39 = tpu.matmul %sub3A_27, %get3A_37, %dot_general3A_38 {dimension_numbers = #tpu.dot_dimension_numbers<[1], [1], [0], [0], [0, 0, 1, 0], [], []>, transpose_lhs_hint = false} : vector<1000x128xf32>, vector<128x128xf32>, vector<1000x128xf32> -> vector<1000x128xf32>
    %add3A_40 = arith.addf %div3A_34, %dot_general3A_39 : vector<1000x128xf32>
    %get3A_41 = arith.constant 0 : index
    %get3A_42 = arith.constant 0 : index
    %get3A_43 = vector.load %arg7[%get3A_41, %get3A_42] : memref<1x128xf32, #tpu.memory_space<vmem>>, vector<1x128xf32>
    %add3A_44 = vector.broadcast %get3A_43 : vector<1x128xf32> to vector<1000x128xf32>
    %add3A_45 = arith.addf %add3A_40, %add3A_44 : vector<1000x128xf32>
    %max3A_46 = arith.constant 0.000000e+00 : f32
    %max3A_47 = vector.broadcast %max3A_46 : f32 to vector<1000x128xf32>
    %max3A_48 = arith.maximumf %add3A_45, %max3A_47 : vector<1000x128xf32>
    %get3A_49 = arith.constant 0 : index
    %get3A_50 = arith.constant 0 : index
    %get3A_51 = vector.load %arg8[%get3A_49, %get3A_50] : memref<128x128xf32, #tpu.memory_space<vmem>>, vector<128x128xf32>
    %dot_general3A_52 = arith.constant dense<0.000000e+00> : vector<1000x128xf32>
    %dot_general3A_53 = tpu.matmul %max3A_48, %get3A_51, %dot_general3A_52 {dimension_numbers = #tpu.dot_dimension_numbers<[1], [1], [0], [0], [0, 0, 1, 0], [], []>, transpose_lhs_hint = false} : vector<1000x128xf32>, vector<128x128xf32>, vector<1000x128xf32> -> vector<1000x128xf32>
    %get3A_54 = arith.constant 0 : index
    %get3A_55 = arith.constant 0 : index
    %get3A_56 = vector.load %arg9[%get3A_54, %get3A_55] : memref<1x128xf32, #tpu.memory_space<vmem>>, vector<1x128xf32>
    %add3A_57 = vector.broadcast %get3A_56 : vector<1x128xf32> to vector<1000x128xf32>
    %add3A_58 = arith.addf %dot_general3A_53, %add3A_57 : vector<1000x128xf32>
    %swap3A = arith.constant 0 : index
    %swap3A_59 = arith.constant 0 : index
    %swap3A_60 = vector.load %arg10[%swap3A, %swap3A_59] : memref<1000x128xf32, #tpu.memory_space<vmem>>, vector<1000x128xf32>
    tpu.vector_store %arg10[%swap3A, %swap3A_59], %add3A_58 {strides = array<i32>} : memref<1000x128xf32, #tpu.memory_space<vmem>>, vector<1000x128xf32>,
    return
  }
  func.func @transform_0(%arg0: i32) -> (i32, i32, i32) {
    %c0_i32 = arith.constant 0 : i32
    %c0_i32_0 = arith.constant 0 : i32
    %c0_i32_1 = arith.constant 0 : i32
    return %c0_i32, %arg0, %c0_i32_0 : i32, i32, i32
  }
  func.func @transform_1(%arg0: i32) -> (i32, i32, i32) {
    %c1_i32 = arith.constant 1 : i32
    %c0_i32 = arith.constant 0 : i32
    %c0_i32_0 = arith.constant 0 : i32
    return %c1_i32, %arg0, %c0_i32 : i32, i32, i32
  }
  func.func @transform_2(%arg0: i32) -> (i32, i32) {
    %c0_i32 = arith.constant 0 : i32
    %c0_i32_0 = arith.constant 0 : i32
    return %arg0, %c0_i32 : i32, i32
  }
  func.func @transform_3(%arg0: i32) -> (i32, i32) {
    %c0_i32 = arith.constant 0 : i32
    %c0_i32_0 = arith.constant 0 : i32
    return %arg0, %c0_i32 : i32, i32
  }
  func.func @transform_4(%arg0: i32) -> (i32, i32) {
    %c0_i32 = arith.constant 0 : i32
    %c0_i32_0 = arith.constant 0 : i32
    %c0_i32_1 = arith.constant 0 : i32
    return %c0_i32, %c0_i32_0 : i32, i32
  }
  func.func @transform_5(%arg0: i32) -> (i32, i32) {
    %c0_i32 = arith.constant 0 : i32
    %c0_i32_0 = arith.constant 0 : i32
    %c0_i32_1 = arith.constant 0 : i32
    return %c0_i32, %c0_i32_0 : i32, i32
  }
  func.func @transform_6(%arg0: i32) -> (i32, i32) {
    %c0_i32 = arith.constant 0 : i32
    %c0_i32_0 = arith.constant 0 : i32
    %c0_i32_1 = arith.constant 0 : i32
    return %c0_i32, %c0_i32_0 : i32, i32
  }
  func.func @transform_7(%arg0: i32) -> (i32, i32) {
    %c0_i32 = arith.constant 0 : i32
    %c0_i32_0 = arith.constant 0 : i32
    %c0_i32_1 = arith.constant 0 : i32
    return %c0_i32, %c0_i32_0 : i32, i32
  }
  func.func @transform_8(%arg0: i32) -> (i32, i32) {
    %c0_i32 = arith.constant 0 : i32
    %c0_i32_0 = arith.constant 0 : i32
    %c0_i32_1 = arith.constant 0 : i32
    return %c0_i32, %c0_i32_0 : i32, i32
  }
  func.func @transform_9(%arg0: i32) -> (i32, i32) {
    %c0_i32 = arith.constant 0 : i32
    %c0_i32_0 = arith.constant 0 : i32
    return %arg0, %c0_i32 : i32, i32
  }
}

</mosaic_0001>

<sc_bundles>
// kernel: kernel.6.cloned.1.call-start
scs
__scs_entry_jumppad:
0x0: {  	(pc) =	sbr.rel $0x88, $3  }
0x1: {  	(tag) =	ssettag $0x0;
	lr =	simm.s32 $0x1  }
0x2: {  	[smem:$0x3F97] =	sst lr;
	_ =	strace $0xD0000000  }
0x3: {  	_ = 	snop  }
0x4: {  	_ = 	snop  }
0x5: {  	_ = 	snop  }
0x6: {  	_ = 	snop  }
0x7: {  	_ = 	snop  }
__scs_overlays_trampoline_lowered:
0x8: {  	[smem:$0x3FA6] =	sst s0  }
0x9: {  	[smem:$0x3FA7] =	sst s1  }
0xa: {  	[smem:$0x3FA8] =	sst s2  }
0xb: {  	[smem:$0x3FA9] =	sst s3  }
0xc: {  	[smem:$0x3FAA] =	sst s4  }
0xd: {  	[smem:$0x3FAB] =	sst s5  }
0xe: {  	[smem:$0x3FAC] =	sst s6  }
0xf: {  	[smem:$0x3FAD] =	sst s7  }
0x10: {  	[smem:$0x3FAE] =	sst s8  }
0x11: {  	[smem:$0x3FAF] =	sst s9;
	s0 =	simm.s32 @!p0 $0x0  }
0x12: {  	s1 =	sld [smem:$0x3F95];
	s0 =	simm.s32 @p0 $0x1  }
0x13: {  	[smem:$0x3FB0] =	sst s0;
	s0 =	simm.s32 @!p1 $0x0  }
0x14: {  	s2 =	sld [smem:$0x3F94];
	s0 =	simm.s32 @p1 $0x1  }
0x15: {  	[smem:$0x3FB1] =	sst s0;
	s0 =	simm.s32 @!p2 $0x0  }
0x16: {  	s3 =	sld [smem:$0x3FDB];
	s0 =	simm.s32 @p2 $0x1  }
0x17: {  	s4 =	simm.s32 $0x1BF5;
	[smem:$0x3FB3] =	sst s0  }
0x18: {  	s0 =	sld [smem:$0x3F96];
	_ =	swait.ge [sflag:s4], $0x0  }
0x19: {  	s7 =	sld [smem:$0x3F97]  }
0x1a: {  	s8 =	sadd.s32 $0xFFFFE003, lr  }
0x1b: {  	s9 =	sadd.s32 $0xFFFFFEF7, lr;
	s5 =	simm.s32 $0xFFFFFFFF;
	p2 =	slt.u32 s8, $0xFFFFF086  }
0x1c: {  	p1 =	slt.u32 s9, $0xF7A;
	s5 =	simm.s32 @!p2 $0x0  }
0x1d: {  	s5 =	simm.s32 @p1 $0x1;
	p0 =	seq.s32 s7, s2  }
0x1e: {  	s7 =	smul.u32 @!p0 $0xF7A, s2;
	p2 =	seq.s32 @!p0 s5, $0x0  }
0x1f: {  	s9 =	smul.u32 $0xF7A, s1;
	s8 =	simm.s32 @!p0 $0x1BF5;
	p2 =	por !p2, p0  }
0x20: {  	[sflag:s8] =	ssyncset.s32 @!p0 $0xFFFFF086;
	s6 =	sadd.s32 @!p0 s3, s7;
	s7 =	simm.s32 @!p0 $0x108  }
0x21: {  	s3 =	sadd.s32 s3, s9;
	s6 =	sadd.s32 @!p0 $0x88, s6;
	s7 =	simm.s32 @p2 $0x1082  }
0x22: {  	[simem:s7], [sflag:s8] =	dma.local @!p0 [hbm:s6], $0xF7A  }
0x23: {  	s9 =	sor.u32 $0xD0000000, s2;
	s6 =	simm.s32 $0x108;
	_ =	swait.ge @!p0 [sflag:s8], $0x0  }
0x24: {  	s3 =	sadd.s32 $0x88, s3;
	s6 =	simm.s32 @!p1 $0x1082;
	[sflag:s4] =	ssyncset.s32 $0xFFFFF086  }
0x25: {  	[simem:s6], [sflag:s4] =	dma.local [hbm:s3], $0xF7A  }
0x26: {  	[smem:$0x3F97] =	sst s1;
	(tag) =	ssettag s2;
	_ =	strace s9  }
0x27: {  	s1 =	sld [smem:$0x3FA7]  }
0x28: {  	s2 =	sld [smem:$0x3FA8]  }
0x29: {  	s4 =	sld [smem:$0x3FAA]  }
0x2a: {  	p0 =	seq.s32 s5, $0x0;
	s5 =	sld [smem:$0x3FAB]  }
0x2b: {  	s6 =	sld [smem:$0x3FAC]  }
0x2c: {  	s7 =	sld [smem:$0x3FAD]  }
0x2d: {  	s3 =	simm.s32 $0x108;
	s8 =	sld [smem:$0x3FAE]  }
0x2e: {  	s3 =	simm.s32 @!p0 $0x1082;
	s9 =	sld [smem:$0x3FAF]  }
0x2f: {  	lr =	sadd.s32 s0, s3;
	s0 =	sld [smem:$0x3FA6]  }
0x30: {  	s3 =	sld [smem:$0x3FA9]  }
0x31: {  	[smem:$0x3FB2] =	sst s10  }
0x32: {  	s10 =	sld [smem:$0x3FB0];
	_ =	sdelay $0x3  }
0x33: {  	p0 =	seq.s32 s10, $0x1;
	s10 =	sld [smem:$0x3FB2];
	_ =	sdelay $0x3  }
0x34: {  	[smem:$0x3FB2] =	sst s10  }
0x35: {  	s10 =	sld [smem:$0x3FB1];
	_ =	sdelay $0x3  }
0x36: {  	p1 =	seq.s32 s10, $0x1;
	s10 =	sld [smem:$0x3FB2];
	_ =	sdelay $0x3  }
0x37: {  	[smem:$0x3FB2] =	sst s10  }
0x38: {  	s10 =	sld [smem:$0x3FB3]  }
0x39: {  	_ = 	snop;
	(pc) =	sbr.ind lr, $3  }
0x3a: {  	_ = 	snop  }
0x3b: {  	_ = 	snop  }
0x3c: {  	p2 =	seq.s32 s10, $0x1;
	s10 =	sld [smem:$0x3FB2]  }
0x3d: {  	_ =	shalt  }
0x3e: {  	_ =	shalt  }
0x3f: {  	_ =	shalt  }
0x40: {  	_ =	shalt  }
0x41: {  	_ =	shalt  }
0x42: {  	_ =	shalt  }
0x43: {  	_ =	shalt  }
0x44: {  	_ =	shalt  }
0x45: {  	_ =	shalt  }
0x46: {  	_ =	shalt  }
0x47: {  	_ =	shalt  }
0x48: {  	_ =	shalt  }
0x49: {  	_ =	shalt  }
0x4a: {  	_ =	shalt  }
0x4b: {  	_ =	shalt  }
0x4c: {  	_ =	shalt  }
0x4d: {  	_ =	shalt  }
0x4e: {  	_ =	shalt  }
0x4f: {  	_ =	shalt  }
0x50: {  	_ =	shalt  }
0x51: {  	_ =	shalt  }
0x52: {  	_ =	shalt  }
0x53: {  	_ =	shalt  }
0x54: {  	_ =	shalt  }
0x55: {  	_ =	shalt  }
0x56: {  	_ =	shalt  }
0x57: {  	_ =	shalt  }
0x58: {  	_ =	shalt  }
0x59: {  	_ =	shalt  }
0x5a: {  	_ =	shalt  }
0x5b: {  	_ =	shalt  }
0x5c: {  	_ =	shalt  }
0x5d: {  	_ =	shalt  }
0x5e: {  	_ =	shalt  }
0x5f: {  	_ =	shalt  }
0x60: {  	_ =	shalt  }
0x61: {  	_ =	shalt  }
0x62: {  	_ =	shalt  }
0x63: {  	_ =	shalt  }
0x64: {  	_ =	shalt  }
0x65: {  	_ =	shalt  }
0x66: {  	_ =	shalt  }
0x67: {  	_ =	shalt  }
0x68: {  	_ =	shalt  }
0x69: {  	_ =	shalt  }
0x6a: {  	_ =	shalt  }
0x6b: {  	_ =	shalt  }
0x6c: {  	_ =	shalt  }
0x6d: {  	_ =	shalt  }
0x6e: {  	_ =	shalt  }
0x6f: {  	_ =	shalt  }
0x70: {  	_ =	shalt  }
0x71: {  	_ =	shalt  }
0x72: {  	_ =	shalt  }
0x73: {  	_ =	shalt  }
0x74: {  	_ =	shalt  }
0x75: {  	_ =	shalt  }
0x76: {  	_ =	shalt  }
0x77: {  	_ =	shalt  }
0x78: {  	_ =	shalt  }
0x79: {  	_ =	shalt  }
0x7a: {  	_ =	shalt  }
0x7b: {  	_ =	shalt  }
0x7c: {  	_ =	shalt  }
0x7d: {  	_ =	shalt  }
0x7e: {  	_ =	shalt  }
0x7f: {  	_ =	shalt  }
0x80: {  	_ =	shalt  }
0x81: {  	_ =	shalt  }
0x82: {  	_ =	shalt  }
0x83: {  	_ =	shalt  }
0x84: {  	_ =	shalt  }
0x85: {  	_ =	shalt  }
0x86: {  	_ =	shalt  }
0x87: {  	_ =	shalt  }
.Lfunc_end0:
.L_simem_size_0:
called_computation_lowered:
.L_overlay_start_0:
0x88: {  	s2 =	sld [smem:$0x3FD9]  }
0x89: {  	s3 =	sld [smem:$0x3FFE];
	_ =	sdelay $0x1  }
0x8a: {  	s1 =	srdreg.scid  }
0x8b: {  	s0 =	sand.u32 $0x1, s1  }
0x8c: {  	s17 =	sshll.u32 s0, $0xA;
	s2 =	sadd.s32 s3, s2  }
0x8d: {  	s2 =	sadd.s32 s2, s17  }
0x8e: {  	[smem:$0x3FBE] =	sst s2  }
0x8f: {  	_ = 	snop  }
0x90: {  	s2 =	sld [smem:$0x3FD0];
	(tm) =	ssettm $0x1  }
0x91: {  	s18 =	sld [smem:$0x3FFB];
	_ =	sdelay $0x3  }
0x92: {  	_ =	strace s18  }
0x93: {  	s3 =	sld [smem:$0x3FFC];
	_ =	sdelay $0x3  }
0x94: {  	_ =	strace s3  }
0x95: {  	s3 =	sld [smem:$0x3FFD];
	_ =	sdelay $0x3  }
0x96: {  	_ =	strace s3  }
0x97: {  	_ =	strace $0x8FFFFFFF  }
0x98: {  	s19 =	sld [smem:$0x3FDB];
	_ =	sdelay $0x1  }
0x99: {  	s4 =	simm.s32 $_scs_section_size  }
0x9a: {  	s5 =	simm.s32 $_size__tile_overlayer_lowered;
	s6 =	simm.s32 $_tile_overlayer_lowered  }
0x9b: {  	s22 =	simm.s32 $0x1BFF;
	s21 =	sshll.u32 s6, $0x1;
	s3 =	sadd.s32 s4, s19  }
0x9c: {  	s7 =	simm.s32 $0x0;
	s20 =	sshll.u32 s5, $0x1;
	s5 =	sadd.s32 s21, s3  }
0x9d: {  	[timem:s7], [sflag:s22] =	dma.local [hbm:s5], s20  }
0x9e: {  	_ =	swait.ge [sflag:s22], s20  }
0x9f: {  	s4 =	ssub.s32 $0x0, s20;
	[sflag:s22] =	ssyncset.done $0x0  }
0xa0: {  	[sflag:s22] =	ssyncadd.s32 s4;
	_ =	sdelay $0x1  }
0xa1: {  	s23 =	simm.s32 $0x1B8B  }
0xa2: {  	_ =	swait.ge [sflag:s23], $0x1  }
0xa3: {  	[sflag:s23] =	ssyncset.done $0x0  }
0xa4: {  	s25 =	simm.s32 $0x1B8E;
	s24 =	sld [smem:$0x3FFE];
	[sflag:s23] =	ssyncadd.s32 $0xFFFFFFFF  }
0xa5: {  	s26 =	simm.s32 $execute0_lowered;
	[smem:$0x3FD2] =	sst s25  }
0xa6: {  	s5 =	sshll.u32 s26, $0x1;
	_ =	strace $0x80000046;
	[dreg:$0x1] =	wrdreg $0xFFFFFFFF  }
0xa7: {  	s28 =	simm.s32 $_size_execute0_lowered;
	s3 =	sadd.s32 s3, s5;
	[dreg:$0x0] =	wrdreg $0x0  }
0xa8: {  	s5 =	sshll.u32 s28, $0x1;
	[dreg:$0x2] =	wrdreg s3  }
0xa9: {  	[dreg:$0x3] =	wrdreg s5  }
0xaa: {  	[dreg:$0x4] =	wrdreg $0xC0  }
0xab: {  	_ =	task [dreg:s7], $0x5FFFF  }
0xac: {  	[dreg:$0x1] =	wrdreg $0xFFFFFFFF  }
0xad: {  	[dreg:$0x0] =	wrdreg $0x60  }
0xae: {  	[dreg:$0x2] =	wrdreg s2  }
0xaf: {  	[dreg:$0x3] =	wrdreg s24  }
0xb0: {  	[dreg:$0x4] =	wrdreg $0x0  }
0xb1: {  	[dreg:$0x5] =	wrdreg $0x9  }
0xb2: {  	_ =	task.clear_ibuf [dreg:s7], $0x6FFFF;
	_ =	strace $0x90000046  }
0xb3: {  	s29 =	simm.s32 $0x9;
	_ =	strace $0x80000048  }
0xb4: {  	_ =	swait.ge [sflag:s29], $0x1  }
0xb5: {  	[sflag:s29] =	ssyncadd.s32 $0xFFFFFFFF  }
0xb6: {  	_ =	strace $0x90000048  }
0xb7: {  	_ =	sfence  }
0xb8: {  	s30 =	sld [smem:$0x0];
	_ =	sdelay $0x2  }
0xb9: {  	s31 =	sshll.u32 s1, $0xD;
	s1 =	sshrl.u32 s1, $0x2  }
0xba: {  	s3 =	sand.u32 $0x4000, s31;
	s1 =	sadd.s32 s1, s30  }
0xbb: {  	s0 =	sor.u32 s3, s0;
	s1 =	sshll.u32 s1, $0x11  }
0xbc: {  	s0 =	sor.u32 s1, s0  }
0xbd: {  	s0 =	sadd.s32 $0x8F2B, s0  }
0xbe: {  	[sflag:s0] =	ssyncadd.remote.s32 $0x1  }
0xbf: {  	_ =	sfence.sel $0xFFFF  }
0xc0: {  	[dreg:$0x0] =	wrdreg $0xFFFFFFFF;
	(pc) =	sbr.abs _section_cstart, $3  }
0xc1: {  	[dreg:$0x1] =	wrdreg $0xFFFFFFFF  }
0xc2: {  	_ =	task.clear_ibuf [dreg:s7], $0x2FFFF;
	_ =	strace $0x9FFFFFFF  }
0xc3: {  	(tm) =	ssettm $0x7FFFFFFF  }
tec
execute0_lowered:
.L_overlay_start_1:
0x0: {  	(tag) =	ssettag $0x1  }
0x1: {  	s0 =	srdreg.scid;
	s1 =	rddreg [dreg:$0x0]  }
0x2: {  	s26 =	stileid.u32;
	s7 =	rddreg [dreg:$0x1]  }
0x3: {  	s3 =	rddreg [dreg:$0x2];
	s14 =	simm.s32 $0x400;
	s15 =	simm.s32 $0x14000  }
0x4: {  	s16 =	simm.s32 $0x16780;
	s17 =	simm.s32 $0x50;
	s18 =	simm.s32 $0x1A780  }
0x5: {  	s19 =	simm.s32 $0x14050;
	s20 =	simm.s32 $0x1CF80;
	s21 =	simm.s32 $0x1  }
0x6: {  	s22 =	simm.s32 $0x2;
	s23 =	simm.s32 $0x1A480;
	s24 =	simm.s32 $0x166C0  }
0x7: {  	s25 =	simm.s32 $0x1A500;
	s28 =	simm.s32 $0x0;
	s29 =	smul.u32 $0x14000, s26  }
0x8: {  	s6 =	sand.u32 $0x1, s0;
	s9 =	sshll.u32 s26, $0x7;
	s11 =	smul.u32 $0x50000, s26  }
0x9: {  	s12 =	sshll.u32 s26, $0x6;
	s2 =	sshll.u32 s6, $0x4;
	s9 =	sand.u32 $0x380, s9  }
0xa: {  	s10 =	smul.u32 $0x140000, s6;
	s6 =	ssub.s32 $0x2, s6;
	s5 =	sor.u32 s26, s2  }
0xb: {  	s31 =	sshrl.u32 s6, $0x1;
	s11 =	sshrl.u32 s11, $0x2;
	s26 =	simm.s32 $0x1A580  }
0xc: {  	s4 =	sshrl.u32 s5, $0x3;
	s5 =	sshll.u32 s5, $0xB;
	s13 =	ssub.s32 s6, s31  }
0xd: {  	s11 =	sadd.s32 s11, s3;
	s6 =	sor.u32 $0x1C03, s12;
	s12 =	simm.s32 $0x3  }
0xe: {  	s8 =	smul.u32 $0x13C00, s4;
	s4 =	simm.s32 $0x0;
	s30 =	sadd.s32 s5, s7  }
0xf: {  	s5 =	sadd.s32 $0x1B800, s7;
	s11 =	sshrl.u32 s11, $0x3;
	[smem:$0x7FF] =	sst s4  }
0x10: {  	s8 =	sor.u32 s9, s8;
	_ =	strace $0x80000047;
	s9 =	sadd.s32 s29, s10  }
0x11: {  	s10 =	smax.u32 s13, $0x1;
	s8 =	sshrl.u32 s8, $0x3;
	s9 =	sshrl.u32 s9, $0x3  }
0x12: {  	s13 =	simm.s32 $0x80;
	s8 =	sadd.s32 s8, s7;
	s9 =	sadd.s32 s9, s7  }
0x13: {  	s7 =	sadd.s32 $0x11A00, s8;
	s8 =	sadd.s32 $0x1A00, s30;
	s9 =	sadd.s32 $0x1E000, s9  }
.LBB2_1:
0x14: {  	[spmem:s11], [sflag:s6] =	dma.local [hbm:s5], $0x2800  }
0x15: {  	_ =	swait.ge [sflag:s12], $0x2800  }
0x16: {  	[sflag:s12] =	ssyncset.done $0x0  }
0x17: {  	[sflag:s12] =	ssyncadd.s32 $0xFFFFD800  }
0x18: {  	[tilespmem:s15], [sflag:$0x3] =	stream.strided.gather [hbm4b:s7+s13], $0x2780, s14, s13, $0x38;
	[tilespmem:$0x1F780] =	vst v63  }
0x19: {  	_ =	swait.ge [sflag:s12], $0x2780  }
0x1a: {  	[sflag:s12] =	ssyncset.done $0x0  }
0x1b: {  	[sflag:s12] =	ssyncadd.s32 $0xFFFFD880  }
0x1c: {  	[tilespmem:s16], [sflag:$0x3] =	stream.linear.gather [hbm4b:s8+s4], $0x3E80, $0x38;
	[tilespmem:$0x1F780] =	vst v63  }
0x1d: {  	_ =	swait.ge [sflag:s12], $0x3E80  }
0x1e: {  	[sflag:s12] =	ssyncset.done $0x0  }
0x1f: {  	[sflag:s12] =	ssyncadd.s32 $0xFFFFC180  }
0x20: {  	[bflag:$0x0] =	sbarrier.arrive $0xFFFF  }
0x21: {  	[tilespmem:s18], [sflag:$0x1] =	stream.indirect.gather [hbm4b:s1+s17], $0x80, s15, s17, $0xb8;
	[tilespmem:$0x1F780] =	vst v63  }
0x22: {  	_ = 	snop  }
0x23: {  	[tilespmem:s20], [sflag:$0x2] =	stream.indirect.gather [hbm4b:s1+s17], $0x80, s19, s17, $0xb8;
	[tilespmem:$0x1F780] =	vst v63  }
0x24: {  	_ =	swait.ge [sflag:s21], $0x2800  }
0x25: {  	[sflag:s21] =	ssyncset.done $0x0  }
0x26: {  	s29 =	simm.s32 $0x16780;
	[sflag:s21] =	ssyncadd.s32 $0xFFFFD800  }
0x27: {  	[spmem:s3] =	stream.indirect.scatter.add.f32 [tilespmem:s18], [sflag:$0x3], $0x80, s29, s17, $0xb8;
	[tilespmem:$0x1F780] =	vst v63  }
0x28: {  	_ =	swait.ge [sflag:s12], $0x2800  }
0x29: {  	[sflag:s12] =	ssyncset.done $0x0  }
0x2a: {  	s29 =	simm.s32 $0x140A0;
	[sflag:s12] =	ssyncadd.s32 $0xFFFFD800  }
0x2b: {  	[tilespmem:s18], [sflag:$0x1] =	stream.indirect.gather [hbm4b:s1+s17], $0x80, s29, s17, $0xb8;
	[tilespmem:$0x1F780] =	vst v63  }
0x2c: {  	_ =	swait.ge [sflag:s22], $0x2800  }
0x2d: {  	[sflag:s22] =	ssyncset.done $0x0  }
0x2e: {  	s29 =	simm.s32 $0x16800;
	[sflag:s22] =	ssyncadd.s32 $0xFFFFD800  }
0x2f: {  	[spmem:s3] =	stream.indirect.scatter.add.f32 [tilespmem:s20], [sflag:$0x3], $0x80, s29, s17, $0xb8;
	[tilespmem:$0x1F780] =	vst v63  }
0x30: {  	_ =	swait.ge [sflag:s12], $0x2800  }
0x31: {  	s30 =	simm.s32 $0x400;
	[sflag:s12] =	ssyncset.done $0x0  }
0x32: {  	s31 =	simm.s32 $0x14190;
	s29 =	simm.s32 $0x140F0;
	[sflag:s12] =	ssyncadd.s32 $0xFFFFD800  }
.LBB2_2:
0x33: {  	[tilespmem:s20], [sflag:$0x2] =	stream.indirect.gather [hbm4b:s1+s17], $0x80, s29, s17, $0xb8;
	[tilespmem:$0x1F780] =	vst v63  }
0x34: {  	s2 =	smov.u32 s30;
	s29 =	smov.u32 s31  }
0x35: {  	p0 =	sne.s32 s30, $0xF000;
	s30 =	sadd.s32 $0x400, s30;
	_ =	swait.ge [sflag:s21], $0x2800  }
0x36: {  	s2 =	sshra.s32 s2, $0x2;
	[sflag:s21] =	ssyncset.done $0x0  }
0x37: {  	s0 =	sadd.s32 $0x16780, s2;
	[sflag:s21] =	ssyncadd.s32 $0xFFFFD800  }
0x38: {  	[spmem:s3] =	stream.indirect.scatter.add.f32 [tilespmem:s18], [sflag:$0x3], $0x80, s0, s17, $0xb8;
	[tilespmem:$0x1F780] =	vst v63  }
0x39: {  	_ =	swait.ge [sflag:s12], $0x2800  }
0x3a: {  	[sflag:s12] =	ssyncset.done $0x0  }
0x3b: {  	s0 =	sadd.s32 $0xFFFFFFB0, s31;
	[sflag:s12] =	ssyncadd.s32 $0xFFFFD800  }
0x3c: {  	[tilespmem:s18], [sflag:$0x1] =	stream.indirect.gather [hbm4b:s1+s17], $0x80, s0, s17, $0xb8;
	[tilespmem:$0x1F780] =	vst v63  }
0x3d: {  	_ =	swait.ge [sflag:s22], $0x2800  }
0x3e: {  	[sflag:s22] =	ssyncset.done $0x0  }
.Ltmp0:
0x3f: {  	s0 =	sadd.s32 $0x16800, s2;
	[sflag:s22] =	ssyncadd.s32 $0xFFFFD800;
	(pc) =	sbr.rel @p0 .LBB2_2-.Ltmp0, $4  }
0x40: {  	[spmem:s3] =	stream.indirect.scatter.add.f32 [tilespmem:s20], [sflag:$0x3], $0x80, s0, s17, $0xb8;
	[tilespmem:$0x1F780] =	vst v63  }
0x41: {  	_ =	swait.ge [sflag:s12], $0x2800  }
0x42: {  	[sflag:s12] =	ssyncset.done $0x0  }
0x43: {  	s31 =	sadd.s32 $0xA0, s31;
	[sflag:s12] =	ssyncadd.s32 $0xFFFFD800  }
0x44: {  	[tilespmem:s20], [sflag:$0x2] =	stream.indirect.gather [hbm4b:s1+s17], $0x80, s29, s17, $0xb8;
	[tilespmem:$0x1F780] =	vst v63  }
0x45: {  	_ =	swait.ge [sflag:s21], $0x2800  }
0x46: {  	[sflag:s21] =	ssyncset.done $0x0  }
0x47: {  	[sflag:s21] =	ssyncadd.s32 $0xFFFFD800  }
0x48: {  	[spmem:s3] =	stream.indirect.scatter.add.f32 [tilespmem:s18], [sflag:$0x3], $0x80, s23, s17, $0xb8;
	[tilespmem:$0x1F780] =	vst v63  }
0x49: {  	_ =	swait.ge [sflag:s12], $0x2800  }
0x4a: {  	[sflag:s12] =	ssyncset.done $0x0  }
0x4b: {  	[sflag:s12] =	ssyncadd.s32 $0xFFFFD800  }
0x4c: {  	[tilespmem:s18], [sflag:$0x1] =	stream.indirect.gather [hbm4b:s1+s17], $0x80, s24, s17, $0xb8;
	[tilespmem:$0x1F780] =	vst v63  }
0x4d: {  	_ =	swait.ge [sflag:s22], $0x2800  }
0x4e: {  	[sflag:s22] =	ssyncset.done $0x0  }
0x4f: {  	[sflag:s22] =	ssyncadd.s32 $0xFFFFD800  }
0x50: {  	[spmem:s3] =	stream.indirect.scatter.add.f32 [tilespmem:s20], [sflag:$0x3], $0x80, s25, s17, $0xb8;
	[tilespmem:$0x1F780] =	vst v63  }
0x51: {  	_ =	swait.ge [sflag:s12], $0x2800  }
0x52: {  	[sflag:s12] =	ssyncset.done $0x0  }
0x53: {  	[sflag:s12] =	ssyncadd.s32 $0xFFFFD800  }
0x54: {  	_ =	swait.ge [sflag:s21], $0x2800  }
0x55: {  	[sflag:s21] =	ssyncset.done $0x0  }
0x56: {  	[sflag:s21] =	ssyncadd.s32 $0xFFFFD800  }
0x57: {  	[spmem:s3] =	stream.indirect.scatter.add.f32 [tilespmem:s18], [sflag:$0x3], $0x80, s26, s17, $0xb8;
	[tilespmem:$0x1F780] =	vst v63  }
0x58: {  	_ =	swait.ge [sflag:s12], $0x2800  }
0x59: {  	s28 =	sadd.s32 $0x1, s28;
	[sflag:s12] =	ssyncset.done $0x0  }
0x5a: {  	p0 =	sne.s32 s28, s10;
	[sflag:s12] =	ssyncadd.s32 $0xFFFFD800  }
.Ltmp1:
0x5b: {  	[bflag:$0x0] =	sbarrier.arrive $0xFFFF;
	(pc) =	sbr.rel @p0 .LBB2_1-.Ltmp1, $4  }
0x5c: {  	[hbm:s9], [sflag:s6] =	dma.local [spmem:s11], $0x2800  }
0x5d: {  	_ =	swait.ge [sflag:s12], $0x2800  }
0x5e: {  	[sflag:s12] =	ssyncset.done $0x0  }
0x5f: {  	[sflag:s12] =	ssyncadd.s32 $0xFFFFD800  }
0x60: {  	_ =	sfence.sel $0x180000  }
0x61: {  	[bflag:$0x0] =	sbarrier.arrive $0xFFFF  }
0x62: {  	_ =	strace $0x90000047  }
0x63: {  	s0 =	stileid.u32;
	[bflag:$0x2] =	sbarrier.arrive $0xFFFF  }
0x64: {  	p0 =	sne.s32 s0, $0x0;
	s0 =	rddreg [dreg:$0x3]  }
0x65: {  	s0 =	sadd.s32 @!p0 $0x100000, s0  }
0x66: {  	[sflag:s0] =	ssyncadd.tile.s32 @!p0 $0x1;
	_ =	shalt  }
.Lfunc_end2:
_tile_overlayer_lowered:
.L_overlay_start_2:
0x67: {  	(tag) =	ssettag $0x2  }
0x68: {  	s0 =	rddreg [dreg:$0x0];
	s2 =	stileid.u32  }
0x69: {  	s1 =	rddreg [dreg:$0x1];
	p0 =	sne.s32 s2, $0x0  }
0x6a: {  	s3 =	rddreg [dreg:$0x2];
	[bflag:$0x3] =	sbarrier.arrive $0xFFFF;
	s2 =	simm.s32 @!p0 $0x1C03  }
0x6b: {  	[timem:s3], [sflag:s2] =	dma.local @!p0 [hbm:s0], s1  }
0x6c: {  	s0 =	simm.s32 @!p0 $0x3  }
0x6d: {  	_ =	swait.ge @!p0 [sflag:s0], s1  }
0x6e: {  	s1 =	ssub.s32 @!p0 $0x0, s1;
	[sflag:s0] =	ssyncset.done @!p0 $0x0  }
0x6f: {  	[sflag:s0] =	ssyncadd.s32 @!p0 s1  }
0x70: {  	[bflag:$0x3] =	sbarrier.arrive $0xFFFF  }
0x71: {  	_ =	shalt  }

// kernel: kernel.9.cloned.1.call-start
scs
__scs_entry_jumppad:
0x0: {  	(pc) =	sbr.rel $0x88, $3  }
0x1: {  	(tag) =	ssettag $0x0;
	lr =	simm.s32 $0x1  }
0x2: {  	[smem:$0x3F97] =	sst lr;
	_ =	strace $0xD0000000  }
0x3: {  	_ = 	snop  }
0x4: {  	_ = 	snop  }
0x5: {  	_ = 	snop  }
0x6: {  	_ = 	snop  }
0x7: {  	_ = 	snop  }
__scs_overlays_trampoline_lowered:
0x8: {  	[smem:$0x3FA6] =	sst s0  }
0x9: {  	[smem:$0x3FA7] =	sst s1  }
0xa: {  	[smem:$0x3FA8] =	sst s2  }
0xb: {  	[smem:$0x3FA9] =	sst s3  }
0xc: {  	[smem:$0x3FAA] =	sst s4  }
0xd: {  	[smem:$0x3FAB] =	sst s5  }
0xe: {  	[smem:$0x3FAC] =	sst s6  }
0xf: {  	[smem:$0x3FAD] =	sst s7  }
0x10: {  	[smem:$0x3FAE] =	sst s8  }
0x11: {  	[smem:$0x3FAF] =	sst s9;
	s0 =	simm.s32 @!p0 $0x0  }
0x12: {  	s1 =	sld [smem:$0x3F95];
	s0 =	simm.s32 @p0 $0x1  }
0x13: {  	[smem:$0x3FB0] =	sst s0;
	s0 =	simm.s32 @!p1 $0x0  }
0x14: {  	s2 =	sld [smem:$0x3F94];
	s0 =	simm.s32 @p1 $0x1  }
0x15: {  	[smem:$0x3FB1] =	sst s0;
	s0 =	simm.s32 @!p2 $0x0  }
0x16: {  	s3 =	sld [smem:$0x3FDB];
	s0 =	simm.s32 @p2 $0x1  }
0x17: {  	s4 =	simm.s32 $0x1BF5;
	[smem:$0x3FB3] =	sst s0  }
0x18: {  	s0 =	sld [smem:$0x3F96];
	_ =	swait.ge [sflag:s4], $0x0  }
0x19: {  	s7 =	sld [smem:$0x3F97]  }
0x1a: {  	s8 =	sadd.s32 $0xFFFFE003, lr  }
0x1b: {  	s9 =	sadd.s32 $0xFFFFFEF7, lr;
	s5 =	simm.s32 $0xFFFFFFFF;
	p2 =	slt.u32 s8, $0xFFFFF086  }
0x1c: {  	p1 =	slt.u32 s9, $0xF7A;
	s5 =	simm.s32 @!p2 $0x0  }
0x1d: {  	s5 =	simm.s32 @p1 $0x1;
	p0 =	seq.s32 s7, s2  }
0x1e: {  	s7 =	smul.u32 @!p0 $0xF7A, s2;
	p2 =	seq.s32 @!p0 s5, $0x0  }
0x1f: {  	s9 =	smul.u32 $0xF7A, s1;
	s8 =	simm.s32 @!p0 $0x1BF5;
	p2 =	por !p2, p0  }
0x20: {  	[sflag:s8] =	ssyncset.s32 @!p0 $0xFFFFF086;
	s6 =	sadd.s32 @!p0 s3, s7;
	s7 =	simm.s32 @!p0 $0x108  }
0x21: {  	s3 =	sadd.s32 s3, s9;
	s6 =	sadd.s32 @!p0 $0x88, s6;
	s7 =	simm.s32 @p2 $0x1082  }
0x22: {  	[simem:s7], [sflag:s8] =	dma.local @!p0 [hbm:s6], $0xF7A  }
0x23: {  	s9 =	sor.u32 $0xD0000000, s2;
	s6 =	simm.s32 $0x108;
	_ =	swait.ge @!p0 [sflag:s8], $0x0  }
0x24: {  	s3 =	sadd.s32 $0x88, s3;
	s6 =	simm.s32 @!p1 $0x1082;
	[sflag:s4] =	ssyncset.s32 $0xFFFFF086  }
0x25: {  	[simem:s6], [sflag:s4] =	dma.local [hbm:s3], $0xF7A  }
0x26: {  	[smem:$0x3F97] =	sst s1;
	(tag) =	ssettag s2;
	_ =	strace s9  }
0x27: {  	s1 =	sld [smem:$0x3FA7]  }
0x28: {  	s2 =	sld [smem:$0x3FA8]  }
0x29: {  	s4 =	sld [smem:$0x3FAA]  }
0x2a: {  	p0 =	seq.s32 s5, $0x0;
	s5 =	sld [smem:$0x3FAB]  }
0x2b: {  	s6 =	sld [smem:$0x3FAC]  }
0x2c: {  	s7 =	sld [smem:$0x3FAD]  }
0x2d: {  	s3 =	simm.s32 $0x108;
	s8 =	sld [smem:$0x3FAE]  }
0x2e: {  	s3 =	simm.s32 @!p0 $0x1082;
	s9 =	sld [smem:$0x3FAF]  }
0x2f: {  	lr =	sadd.s32 s0, s3;
	s0 =	sld [smem:$0x3FA6]  }
0x30: {  	s3 =	sld [smem:$0x3FA9]  }
0x31: {  	[smem:$0x3FB2] =	sst s10  }
0x32: {  	s10 =	sld [smem:$0x3FB0];
	_ =	sdelay $0x3  }
0x33: {  	p0 =	seq.s32 s10, $0x1;
	s10 =	sld [smem:$0x3FB2];
	_ =	sdelay $0x3  }
0x34: {  	[smem:$0x3FB2] =	sst s10  }
0x35: {  	s10 =	sld [smem:$0x3FB1];
	_ =	sdelay $0x3  }
0x36: {  	p1 =	seq.s32 s10, $0x1;
	s10 =	sld [smem:$0x3FB2];
	_ =	sdelay $0x3  }
0x37: {  	[smem:$0x3FB2] =	sst s10  }
0x38: {  	s10 =	sld [smem:$0x3FB3]  }
0x39: {  	_ = 	snop;
	(pc) =	sbr.ind lr, $3  }
0x3a: {  	_ = 	snop  }
0x3b: {  	_ = 	snop  }
0x3c: {  	p2 =	seq.s32 s10, $0x1;
	s10 =	sld [smem:$0x3FB2]  }
0x3d: {  	_ =	shalt  }
0x3e: {  	_ =	shalt  }
0x3f: {  	_ =	shalt  }
0x40: {  	_ =	shalt  }
0x41: {  	_ =	shalt  }
0x42: {  	_ =	shalt  }
0x43: {  	_ =	shalt  }
0x44: {  	_ =	shalt  }
0x45: {  	_ =	shalt  }
0x46: {  	_ =	shalt  }
0x47: {  	_ =	shalt  }
0x48: {  	_ =	shalt  }
0x49: {  	_ =	shalt  }
0x4a: {  	_ =	shalt  }
0x4b: {  	_ =	shalt  }
0x4c: {  	_ =	shalt  }
0x4d: {  	_ =	shalt  }
0x4e: {  	_ =	shalt  }
0x4f: {  	_ =	shalt  }
0x50: {  	_ =	shalt  }
0x51: {  	_ =	shalt  }
0x52: {  	_ =	shalt  }
0x53: {  	_ =	shalt  }
0x54: {  	_ =	shalt  }
0x55: {  	_ =	shalt  }
0x56: {  	_ =	shalt  }
0x57: {  	_ =	shalt  }
0x58: {  	_ =	shalt  }
0x59: {  	_ =	shalt  }
0x5a: {  	_ =	shalt  }
0x5b: {  	_ =	shalt  }
0x5c: {  	_ =	shalt  }
0x5d: {  	_ =	shalt  }
0x5e: {  	_ =	shalt  }
0x5f: {  	_ =	shalt  }
0x60: {  	_ =	shalt  }
0x61: {  	_ =	shalt  }
0x62: {  	_ =	shalt  }
0x63: {  	_ =	shalt  }
0x64: {  	_ =	shalt  }
0x65: {  	_ =	shalt  }
0x66: {  	_ =	shalt  }
0x67: {  	_ =	shalt  }
0x68: {  	_ =	shalt  }
0x69: {  	_ =	shalt  }
0x6a: {  	_ =	shalt  }
0x6b: {  	_ =	shalt  }
0x6c: {  	_ =	shalt  }
0x6d: {  	_ =	shalt  }
0x6e: {  	_ =	shalt  }
0x6f: {  	_ =	shalt  }
0x70: {  	_ =	shalt  }
0x71: {  	_ =	shalt  }
0x72: {  	_ =	shalt  }
0x73: {  	_ =	shalt  }
0x74: {  	_ =	shalt  }
0x75: {  	_ =	shalt  }
0x76: {  	_ =	shalt  }
0x77: {  	_ =	shalt  }
0x78: {  	_ =	shalt  }
0x79: {  	_ =	shalt  }
0x7a: {  	_ =	shalt  }
0x7b: {  	_ =	shalt  }
0x7c: {  	_ =	shalt  }
0x7d: {  	_ =	shalt  }
0x7e: {  	_ =	shalt  }
0x7f: {  	_ =	shalt  }
0x80: {  	_ =	shalt  }
0x81: {  	_ =	shalt  }
0x82: {  	_ =	shalt  }
0x83: {  	_ =	shalt  }
0x84: {  	_ =	shalt  }
0x85: {  	_ =	shalt  }
0x86: {  	_ =	shalt  }
0x87: {  	_ =	shalt  }
.Lfunc_end0:
.L_simem_size_0:
called_computation.1_lowered:
.L_overlay_start_0:
0x88: {  	s2 =	sld [smem:$0x3FD9]  }
0x89: {  	s3 =	sld [smem:$0x3FFE];
	_ =	sdelay $0x1  }
0x8a: {  	s1 =	srdreg.scid  }
0x8b: {  	s0 =	sand.u32 $0x1, s1  }
0x8c: {  	s17 =	sshll.u32 s0, $0xA;
	s2 =	sadd.s32 s3, s2  }
0x8d: {  	s2 =	sadd.s32 s2, s17  }
0x8e: {  	[smem:$0x3FBE] =	sst s2  }
0x8f: {  	_ = 	snop  }
0x90: {  	s2 =	sld [smem:$0x3FD0];
	(tm) =	ssettm $0x1  }
0x91: {  	s18 =	sld [smem:$0x3FFB];
	_ =	sdelay $0x3  }
0x92: {  	_ =	strace s18  }
0x93: {  	s3 =	sld [smem:$0x3FFC];
	_ =	sdelay $0x3  }
0x94: {  	_ =	strace s3  }
0x95: {  	s3 =	sld [smem:$0x3FFD];
	_ =	sdelay $0x3  }
0x96: {  	_ =	strace s3  }
0x97: {  	_ =	strace $0x8FFFFFFF  }
0x98: {  	s19 =	sld [smem:$0x3FDB];
	_ =	sdelay $0x1  }
0x99: {  	s4 =	simm.s32 $_scs_section_size  }
0x9a: {  	s5 =	simm.s32 $_size__tile_overlayer_lowered;
	s6 =	simm.s32 $_tile_overlayer_lowered  }
0x9b: {  	s22 =	simm.s32 $0x1BFF;
	s21 =	sshll.u32 s6, $0x1;
	s3 =	sadd.s32 s4, s19  }
0x9c: {  	s7 =	simm.s32 $0x0;
	s20 =	sshll.u32 s5, $0x1;
	s5 =	sadd.s32 s21, s3  }
0x9d: {  	[timem:s7], [sflag:s22] =	dma.local [hbm:s5], s20  }
0x9e: {  	_ =	swait.ge [sflag:s22], s20  }
0x9f: {  	s4 =	ssub.s32 $0x0, s20;
	[sflag:s22] =	ssyncset.done $0x0  }
0xa0: {  	[sflag:s22] =	ssyncadd.s32 s4;
	_ =	sdelay $0x1  }
0xa1: {  	s23 =	simm.s32 $0x1B8B  }
0xa2: {  	_ =	swait.ge [sflag:s23], $0x1  }
0xa3: {  	[sflag:s23] =	ssyncset.done $0x0  }
0xa4: {  	s25 =	simm.s32 $0x1B8E;
	s24 =	sld [smem:$0x3FFE];
	[sflag:s23] =	ssyncadd.s32 $0xFFFFFFFF  }
0xa5: {  	s26 =	simm.s32 $execute0_lowered;
	[smem:$0x3FD2] =	sst s25  }
0xa6: {  	s5 =	sshll.u32 s26, $0x1;
	_ =	strace $0x80000049;
	[dreg:$0x1] =	wrdreg $0xFFFFFFFF  }
0xa7: {  	s28 =	simm.s32 $_size_execute0_lowered;
	s3 =	sadd.s32 s3, s5;
	[dreg:$0x0] =	wrdreg $0x0  }
0xa8: {  	s5 =	sshll.u32 s28, $0x1;
	[dreg:$0x2] =	wrdreg s3  }
0xa9: {  	[dreg:$0x3] =	wrdreg s5  }
0xaa: {  	[dreg:$0x4] =	wrdreg $0xC0  }
0xab: {  	_ =	task [dreg:s7], $0x5FFFF  }
0xac: {  	[dreg:$0x1] =	wrdreg $0xFFFFFFFF  }
0xad: {  	[dreg:$0x0] =	wrdreg $0x60  }
0xae: {  	[dreg:$0x2] =	wrdreg s2  }
0xaf: {  	[dreg:$0x3] =	wrdreg s24  }
0xb0: {  	[dreg:$0x4] =	wrdreg $0x0  }
0xb1: {  	[dreg:$0x5] =	wrdreg $0x9  }
0xb2: {  	_ =	task.clear_ibuf [dreg:s7], $0x6FFFF;
	_ =	strace $0x90000049  }
0xb3: {  	s29 =	simm.s32 $0x9;
	_ =	strace $0x8000004B  }
0xb4: {  	_ =	swait.ge [sflag:s29], $0x1  }
0xb5: {  	[sflag:s29] =	ssyncadd.s32 $0xFFFFFFFF  }
0xb6: {  	_ =	strace $0x9000004B  }
0xb7: {  	_ =	sfence  }
0xb8: {  	s30 =	sld [smem:$0x0];
	_ =	sdelay $0x2  }
0xb9: {  	s31 =	sshll.u32 s1, $0xD;
	s1 =	sshrl.u32 s1, $0x2  }
0xba: {  	s3 =	sand.u32 $0x4000, s31;
	s1 =	sadd.s32 s1, s30  }
0xbb: {  	s0 =	sor.u32 s3, s0;
	s1 =	sshll.u32 s1, $0x11  }
0xbc: {  	s0 =	sor.u32 s1, s0  }
0xbd: {  	s0 =	sadd.s32 $0x8F2B, s0  }
0xbe: {  	[sflag:s0] =	ssyncadd.remote.s32 $0x1  }
0xbf: {  	_ =	sfence.sel $0xFFFF  }
0xc0: {  	[dreg:$0x0] =	wrdreg $0xFFFFFFFF;
	(pc) =	sbr.abs _section_cstart, $3  }
0xc1: {  	[dreg:$0x1] =	wrdreg $0xFFFFFFFF  }
0xc2: {  	_ =	task.clear_ibuf [dreg:s7], $0x2FFFF;
	_ =	strace $0x9FFFFFFF  }
0xc3: {  	(tm) =	ssettm $0x7FFFFFFF  }
tec
execute0_lowered:
.L_overlay_start_1:
0x0: {  	(tag) =	ssettag $0x1  }
0x1: {  	s0 =	srdreg.scid;
	s1 =	rddreg [dreg:$0x0]  }
0x2: {  	s26 =	stileid.u32;
	s7 =	rddreg [dreg:$0x1]  }
0x3: {  	s3 =	rddreg [dreg:$0x2];
	s14 =	simm.s32 $0x400;
	s15 =	simm.s32 $0x14000  }
0x4: {  	s16 =	simm.s32 $0x16780;
	s17 =	simm.s32 $0x50;
	s18 =	simm.s32 $0x1A780  }
0x5: {  	s19 =	simm.s32 $0x14050;
	s20 =	simm.s32 $0x1CF80;
	s21 =	simm.s32 $0x1  }
0x6: {  	s22 =	simm.s32 $0x2;
	s23 =	simm.s32 $0x1A480;
	s24 =	simm.s32 $0x166C0  }
0x7: {  	s25 =	simm.s32 $0x1A500;
	s28 =	simm.s32 $0x0;
	s29 =	smul.u32 $0x14000, s26  }
0x8: {  	s6 =	sand.u32 $0x1, s0;
	s9 =	sshll.u32 s26, $0x7;
	s11 =	smul.u32 $0x50000, s26  }
0x9: {  	s12 =	sshll.u32 s26, $0x6;
	s2 =	sshll.u32 s6, $0x4;
	s9 =	sand.u32 $0x380, s9  }
0xa: {  	s10 =	smul.u32 $0x140000, s6;
	s6 =	ssub.s32 $0x2, s6;
	s5 =	sor.u32 s26, s2  }
0xb: {  	s31 =	sshrl.u32 s6, $0x1;
	s11 =	sshrl.u32 s11, $0x2;
	s26 =	simm.s32 $0x1A580  }
0xc: {  	s4 =	sshrl.u32 s5, $0x3;
	s5 =	sshll.u32 s5, $0xB;
	s13 =	ssub.s32 s6, s31  }
0xd: {  	s11 =	sadd.s32 s11, s3;
	s6 =	sor.u32 $0x1C03, s12;
	s12 =	simm.s32 $0x3  }
0xe: {  	s8 =	smul.u32 $0x13C00, s4;
	s4 =	simm.s32 $0x0;
	s30 =	sadd.s32 s5, s7  }
0xf: {  	s5 =	sadd.s32 $0x1B800, s7;
	s11 =	sshrl.u32 s11, $0x3;
	[smem:$0x7FF] =	sst s4  }
0x10: {  	s8 =	sor.u32 s9, s8;
	_ =	strace $0x8000004A;
	s9 =	sadd.s32 s29, s10  }
0x11: {  	s10 =	smax.u32 s13, $0x1;
	s8 =	sshrl.u32 s8, $0x3;
	s9 =	sshrl.u32 s9, $0x3  }
0x12: {  	s13 =	simm.s32 $0x80;
	s8 =	sadd.s32 s8, s7;
	s9 =	sadd.s32 s9, s7  }
0x13: {  	s7 =	sadd.s32 $0x11A00, s8;
	s8 =	sadd.s32 $0x1A00, s30;
	s9 =	sadd.s32 $0x1E000, s9  }
.LBB2_1:
0x14: {  	[spmem:s11], [sflag:s6] =	dma.local [hbm:s5], $0x2800  }
0x15: {  	_ =	swait.ge [sflag:s12], $0x2800  }
0x16: {  	[sflag:s12] =	ssyncset.done $0x0  }
0x17: {  	[sflag:s12] =	ssyncadd.s32 $0xFFFFD800  }
0x18: {  	[tilespmem:s15], [sflag:$0x3] =	stream.strided.gather [hbm4b:s7+s13], $0x2780, s14, s13, $0x38;
	[tilespmem:$0x1F780] =	vst v63  }
0x19: {  	_ =	swait.ge [sflag:s12], $0x2780  }
0x1a: {  	[sflag:s12] =	ssyncset.done $0x0  }
0x1b: {  	[sflag:s12] =	ssyncadd.s32 $0xFFFFD880  }
0x1c: {  	[tilespmem:s16], [sflag:$0x3] =	stream.linear.gather [hbm4b:s8+s4], $0x3E80, $0x38;
	[tilespmem:$0x1F780] =	vst v63  }
0x1d: {  	_ =	swait.ge [sflag:s12], $0x3E80  }
0x1e: {  	[sflag:s12] =	ssyncset.done $0x0  }
0x1f: {  	[sflag:s12] =	ssyncadd.s32 $0xFFFFC180  }
0x20: {  	[bflag:$0x0] =	sbarrier.arrive $0xFFFF  }
0x21: {  	[tilespmem:s18], [sflag:$0x1] =	stream.indirect.gather [hbm4b:s1+s17], $0x80, s15, s17, $0xb8;
	[tilespmem:$0x1F780] =	vst v63  }
0x22: {  	_ = 	snop  }
0x23: {  	[tilespmem:s20], [sflag:$0x2] =	stream.indirect.gather [hbm4b:s1+s17], $0x80, s19, s17, $0xb8;
	[tilespmem:$0x1F780] =	vst v63  }
0x24: {  	_ =	swait.ge [sflag:s21], $0x2800  }
0x25: {  	[sflag:s21] =	ssyncset.done $0x0  }
0x26: {  	s29 =	simm.s32 $0x16780;
	[sflag:s21] =	ssyncadd.s32 $0xFFFFD800  }
0x27: {  	[spmem:s3] =	stream.indirect.scatter.add.f32 [tilespmem:s18], [sflag:$0x3], $0x80, s29, s17, $0xb8;
	[tilespmem:$0x1F780] =	vst v63  }
0x28: {  	_ =	swait.ge [sflag:s12], $0x2800  }
0x29: {  	[sflag:s12] =	ssyncset.done $0x0  }
0x2a: {  	s29 =	simm.s32 $0x140A0;
	[sflag:s12] =	ssyncadd.s32 $0xFFFFD800  }
0x2b: {  	[tilespmem:s18], [sflag:$0x1] =	stream.indirect.gather [hbm4b:s1+s17], $0x80, s29, s17, $0xb8;
	[tilespmem:$0x1F780] =	vst v63  }
0x2c: {  	_ =	swait.ge [sflag:s22], $0x2800  }
0x2d: {  	[sflag:s22] =	ssyncset.done $0x0  }
0x2e: {  	s29 =	simm.s32 $0x16800;
	[sflag:s22] =	ssyncadd.s32 $0xFFFFD800  }
0x2f: {  	[spmem:s3] =	stream.indirect.scatter.add.f32 [tilespmem:s20], [sflag:$0x3], $0x80, s29, s17, $0xb8;
	[tilespmem:$0x1F780] =	vst v63  }
0x30: {  	_ =	swait.ge [sflag:s12], $0x2800  }
0x31: {  	s30 =	simm.s32 $0x400;
	[sflag:s12] =	ssyncset.done $0x0  }
0x32: {  	s31 =	simm.s32 $0x14190;
	s29 =	simm.s32 $0x140F0;
	[sflag:s12] =	ssyncadd.s32 $0xFFFFD800  }
.LBB2_2:
0x33: {  	[tilespmem:s20], [sflag:$0x2] =	stream.indirect.gather [hbm4b:s1+s17], $0x80, s29, s17, $0xb8;
	[tilespmem:$0x1F780] =	vst v63  }
0x34: {  	s2 =	smov.u32 s30;
	s29 =	smov.u32 s31  }
0x35: {  	p0 =	sne.s32 s30, $0xF000;
	s30 =	sadd.s32 $0x400, s30;
	_ =	swait.ge [sflag:s21], $0x2800  }
0x36: {  	s2 =	sshra.s32 s2, $0x2;
	[sflag:s21] =	ssyncset.done $0x0  }
0x37: {  	s0 =	sadd.s32 $0x16780, s2;
	[sflag:s21] =	ssyncadd.s32 $0xFFFFD800  }
0x38: {  	[spmem:s3] =	stream.indirect.scatter.add.f32 [tilespmem:s18], [sflag:$0x3], $0x80, s0, s17, $0xb8;
	[tilespmem:$0x1F780] =	vst v63  }
0x39: {  	_ =	swait.ge [sflag:s12], $0x2800  }
0x3a: {  	[sflag:s12] =	ssyncset.done $0x0  }
0x3b: {  	s0 =	sadd.s32 $0xFFFFFFB0, s31;
	[sflag:s12] =	ssyncadd.s32 $0xFFFFD800  }
0x3c: {  	[tilespmem:s18], [sflag:$0x1] =	stream.indirect.gather [hbm4b:s1+s17], $0x80, s0, s17, $0xb8;
	[tilespmem:$0x1F780] =	vst v63  }
0x3d: {  	_ =	swait.ge [sflag:s22], $0x2800  }
0x3e: {  	[sflag:s22] =	ssyncset.done $0x0  }
.Ltmp0:
0x3f: {  	s0 =	sadd.s32 $0x16800, s2;
	[sflag:s22] =	ssyncadd.s32 $0xFFFFD800;
	(pc) =	sbr.rel @p0 .LBB2_2-.Ltmp0, $4  }
0x40: {  	[spmem:s3] =	stream.indirect.scatter.add.f32 [tilespmem:s20], [sflag:$0x3], $0x80, s0, s17, $0xb8;
	[tilespmem:$0x1F780] =	vst v63  }
0x41: {  	_ =	swait.ge [sflag:s12], $0x2800  }
0x42: {  	[sflag:s12] =	ssyncset.done $0x0  }
0x43: {  	s31 =	sadd.s32 $0xA0, s31;
	[sflag:s12] =	ssyncadd.s32 $0xFFFFD800  }
0x44: {  	[tilespmem:s20], [sflag:$0x2] =	stream.indirect.gather [hbm4b:s1+s17], $0x80, s29, s17, $0xb8;
	[tilespmem:$0x1F780] =	vst v63  }
0x45: {  	_ =	swait.ge [sflag:s21], $0x2800  }
0x46: {  	[sflag:s21] =	ssyncset.done $0x0  }
0x47: {  	[sflag:s21] =	ssyncadd.s32 $0xFFFFD800  }
0x48: {  	[spmem:s3] =	stream.indirect.scatter.add.f32 [tilespmem:s18], [sflag:$0x3], $0x80, s23, s17, $0xb8;
	[tilespmem:$0x1F780] =	vst v63  }
0x49: {  	_ =	swait.ge [sflag:s12], $0x2800  }
0x4a: {  	[sflag:s12] =	ssyncset.done $0x0  }
0x4b: {  	[sflag:s12] =	ssyncadd.s32 $0xFFFFD800  }
0x4c: {  	[tilespmem:s18], [sflag:$0x1] =	stream.indirect.gather [hbm4b:s1+s17], $0x80, s24, s17, $0xb8;
	[tilespmem:$0x1F780] =	vst v63  }
0x4d: {  	_ =	swait.ge [sflag:s22], $0x2800  }
0x4e: {  	[sflag:s22] =	ssyncset.done $0x0  }
0x4f: {  	[sflag:s22] =	ssyncadd.s32 $0xFFFFD800  }
0x50: {  	[spmem:s3] =	stream.indirect.scatter.add.f32 [tilespmem:s20], [sflag:$0x3], $0x80, s25, s17, $0xb8;
	[tilespmem:$0x1F780] =	vst v63  }
0x51: {  	_ =	swait.ge [sflag:s12], $0x2800  }
0x52: {  	[sflag:s12] =	ssyncset.done $0x0  }
0x53: {  	[sflag:s12] =	ssyncadd.s32 $0xFFFFD800  }
0x54: {  	_ =	swait.ge [sflag:s21], $0x2800  }
0x55: {  	[sflag:s21] =	ssyncset.done $0x0  }
0x56: {  	[sflag:s21] =	ssyncadd.s32 $0xFFFFD800  }
0x57: {  	[spmem:s3] =	stream.indirect.scatter.add.f32 [tilespmem:s18], [sflag:$0x3], $0x80, s26, s17, $0xb8;
	[tilespmem:$0x1F780] =	vst v63  }
0x58: {  	_ =	swait.ge [sflag:s12], $0x2800  }
0x59: {  	s28 =	sadd.s32 $0x1, s28;
	[sflag:s12] =	ssyncset.done $0x0  }
0x5a: {  	p0 =	sne.s32 s28, s10;
	[sflag:s12] =	ssyncadd.s32 $0xFFFFD800  }
.Ltmp1:
0x5b: {  	[bflag:$0x0] =	sbarrier.arrive $0xFFFF;
	(pc) =	sbr.rel @p0 .LBB2_1-.Ltmp1, $4  }
0x5c: {  	[hbm:s9], [sflag:s6] =	dma.local [spmem:s11], $0x2800  }
0x5d: {  	_ =	swait.ge [sflag:s12], $0x2800  }
0x5e: {  	[sflag:s12] =	ssyncset.done $0x0  }
0x5f: {  	[sflag:s12] =	ssyncadd.s32 $0xFFFFD800  }
0x60: {  	_ =	sfence.sel $0x180000  }
0x61: {  	[bflag:$0x0] =	sbarrier.arrive $0xFFFF  }
0x62: {  	_ =	strace $0x9000004A  }
0x63: {  	s0 =	stileid.u32;
	[bflag:$0x2] =	sbarrier.arrive $0xFFFF  }
0x64: {  	p0 =	sne.s32 s0, $0x0;
	s0 =	rddreg [dreg:$0x3]  }
0x65: {  	s0 =	sadd.s32 @!p0 $0x100000, s0  }
0x66: {  	[sflag:s0] =	ssyncadd.tile.s32 @!p0 $0x1;
	_ =	shalt  }
.Lfunc_end2:
_tile_overlayer_lowered:
.L_overlay_start_2:
0x67: {  	(tag) =	ssettag $0x2  }
0x68: {  	s0 =	rddreg [dreg:$0x0];
	s2 =	stileid.u32  }
0x69: {  	s1 =	rddreg [dreg:$0x1];
	p0 =	sne.s32 s2, $0x0  }
0x6a: {  	s3 =	rddreg [dreg:$0x2];
	[bflag:$0x3] =	sbarrier.arrive $0xFFFF;
	s2 =	simm.s32 @!p0 $0x1C03  }
0x6b: {  	[timem:s3], [sflag:s2] =	dma.local @!p0 [hbm:s0], s1  }
0x6c: {  	s0 =	simm.s32 @!p0 $0x3  }
0x6d: {  	_ =	swait.ge @!p0 [sflag:s0], s1  }
0x6e: {  	s1 =	ssub.s32 @!p0 $0x0, s1;
	[sflag:s0] =	ssyncset.done @!p0 $0x0  }
0x6f: {  	[sflag:s0] =	ssyncadd.s32 @!p0 s1  }
0x70: {  	[bflag:$0x3] =	sbarrier.arrive $0xFFFF  }
0x71: {  	_ =	shalt  }

</sc_bundles>
